<compile_context>
chip_gen: v7x
topology: tpu7x:2x2x1
jax: 0.10.2.dev20260603
libtpu: 0.0.44.dev20260713+nightly
codegen_flags: <defaults>
</compile_context>

<pallas_src>
import jax
import jax.numpy as jnp
import numpy as np
from jax import lax
from jax.experimental import pallas as pl
from jax.experimental.pallas import tpu as pltpu
from jax.experimental.pallas import tpu_sc as plsc

BATCH = 1024
VPAD_ = 100096
CONTEXT = 20
EMB_DIM = 64
AUG = EMB_DIM + 1
VOCAB = 100000

VT = 4352
NV = VPAD_ // VT
VPAD = VPAD_
VT2 = 2176
NV2 = VPAD // VT2
NEG = -1e30
LOG2E = 1.4426950408889634
LN2 = 0.6931471805599453

NUM_WORKERS = 32
N_IDX = BATCH * CONTEXT
B_PER_W = N_IDX // NUM_WORKERS
ROWS_PER_W = BATCH // NUM_WORKERS
LCHUNK = 16



def _idx_body(in_ref, o_ref):
    o_ref[...] = in_ref[...].T.reshape(N_IDX)


def _idx_flat(inputs):
    return pl.pallas_call(
        _idx_body,
        in_specs=[pl.BlockSpec((BATCH, CONTEXT), lambda: (0, 0))],
        out_specs=pl.BlockSpec((N_IDX,), lambda: (0,)),
        out_shape=jax.ShapeDtypeStruct((N_IDX,), jnp.int32),
    )(inputs)



TPT = 2048

def _tbl_body(in_ref, o_ref):
    o_ref[...] = jnp.pad(in_ref[...].T, ((0, 0), (0, EMB_DIM)))


def _tbl_repack(table_t):
    return pl.pallas_call(
        _tbl_body,
        grid=(-(-VOCAB // TPT),),
        in_specs=[pl.BlockSpec((EMB_DIM, TPT), lambda j: (0, j))],
        out_specs=pl.BlockSpec((TPT, 2 * EMB_DIM), lambda j: (j, 0)),
        out_shape=jax.ShapeDtypeStruct((VOCAB, 2 * EMB_DIM), jnp.float32),
    )(table_t)



def _sc_gather_sum_body(table_hbm, idx_hbm, out_hbm, idx_v, rows_v, acc_v, sem):
    wid = lax.axis_index("s") * 2 + lax.axis_index("c")
    col0 = wid * ROWS_PER_W
    for c in range(CONTEXT):
        pltpu.sync_copy(
            idx_hbm.at[pl.ds(c * BATCH + col0, ROWS_PER_W)],
            idx_v.at[pl.ds(c * ROWS_PER_W, ROWS_PER_W)],
        )
    pltpu.async_copy(table_hbm.at[idx_v], rows_v, sem).wait()

    @pl.loop(0, ROWS_PER_W)
    def _(r):
        for k in range(EMB_DIM // LCHUNK):
            sl = pl.ds(k * LCHUNK, LCHUNK)
            acc = rows_v[r, sl]
            for c in range(1, CONTEXT):
                acc = acc + rows_v[c * ROWS_PER_W + r, sl]
            acc_v[r, sl] = acc

    pltpu.sync_copy(acc_v, out_hbm.at[pl.ds(col0, ROWS_PER_W)])


def _sc_gather_sum(table128, idx):
    mesh = plsc.VectorSubcoreMesh(core_axis_name="c", subcore_axis_name="s")
    k = pl.kernel(
        _sc_gather_sum_body,
        out_type=jax.ShapeDtypeStruct((BATCH, 2 * EMB_DIM), jnp.float32),
        mesh=mesh,
        compiler_params=pltpu.CompilerParams(use_tc_tiling_on_sc=True),
        scratch_types=[
            pltpu.VMEM((B_PER_W,), jnp.int32),
            pltpu.VMEM((B_PER_W, 2 * EMB_DIM), jnp.float32),
            pltpu.VMEM((ROWS_PER_W, 2 * EMB_DIM), jnp.float32),
            pltpu.SemaphoreType.DMA,
        ],
    )
    return k(table128, idx)



def _stats_body(x_ref, w_ref, lse_ref, m_ref):
    j = pl.program_id(0)

    @pl.when(j == 0)
    def _init():
        m_ref[...] = jnp.full((1, BATCH), -jnp.inf, jnp.float32)
        lse_ref[...] = jnp.zeros((1, BATCH), jnp.float32)

    lt2 = lax.dot_general(
        w_ref[...], x_ref[...].astype(jnp.bfloat16), (((0,), (0,)), ((), ())),
        preferred_element_type=jnp.float32,
    )
    tmax = jnp.max(lt2, axis=0, keepdims=True)
    m_old = m_ref[...]
    m_new = jnp.maximum(m_old, tmax)
    e = jnp.exp2(lt2 - m_new)
    tsum = jnp.sum(e, axis=0, keepdims=True)
    s = lse_ref[...] * jnp.exp2(m_old - m_new) + tsum
    lse_ref[...] = s
    m_ref[...] = m_new

    @pl.when(j == NV - 1)
    def _fin():
        lse_ref[...] = (m_ref[...] + jnp.log2(lse_ref[...])) * LN2


def _stats(x_aug_t, w_aug):
    return pl.pallas_call(
        _stats_body,
        grid=(NV,),
        in_specs=[
            pl.BlockSpec((AUG, BATCH), lambda j: (0, 0)),
            pl.BlockSpec((AUG, VT), lambda j: (0, j)),
        ],
        out_specs=[
            pl.BlockSpec((1, BATCH), lambda j: (0, 0)),
            pl.BlockSpec((1, BATCH), lambda j: (0, 0)),
        ],
        out_shape=[
            jax.ShapeDtypeStruct((1, BATCH), jnp.float32),
            jax.ShapeDtypeStruct((1, BATCH), jnp.float32),
        ],
    )(x_aug_t, w_aug)



def _out_body(x_ref, w_ref, lse_ref, o_ref):
    lt = lax.dot_general(
        w_ref[...], x_ref[...].astype(jnp.bfloat16), (((0,), (0,)), ((), ())),
        preferred_element_type=jnp.float32,
    )
    o_ref[...] = lt * LN2 - lse_ref[...]


def _final(x_aug_t, w_aug, lse):
    return pl.pallas_call(
        _out_body,
        grid=(NV2,),
        in_specs=[
            pl.BlockSpec((AUG, BATCH), lambda j: (0, 0)),
            pl.BlockSpec((AUG, VT2), lambda j: (0, j)),
            pl.BlockSpec((1, BATCH), lambda j: (0, 0)),
        ],
        out_specs=pl.BlockSpec((VT2, BATCH), lambda j: (j, 0)),
        out_shape=jax.ShapeDtypeStruct((VOCAB, BATCH), jnp.float32),
    )(x_aug_t, w_aug, lse)


def kernel(inputs, emb_table, W, b):
    idx = _idx_flat(inputs.astype(jnp.int32))
    table128 = _tbl_repack(emb_table.T)
    xsum = _sc_gather_sum(table128, idx)

    x_aug_t = jnp.concatenate(
        [xsum[:, :EMB_DIM], jnp.ones((BATCH, 1), jnp.float32)], axis=1).T
    w_aug = (jnp.concatenate(
        [jnp.pad(W.T, ((0, 0), (0, VPAD - VOCAB))),
         jnp.pad(b, (0, VPAD - VOCAB), constant_values=NEG)[None, :]],
        axis=0) * LOG2E).astype(jnp.bfloat16)

    lse, _ = _stats(x_aug_t, w_aug)
    out_t = _final(x_aug_t, w_aug, lse)
    return out_t.T

# --- scband reference (transcript-rebuilt; emitter-appended) ---
"""Pipeline reference for scband-continuous-bag-of-words-23914377904317 (READ-ONLY COPY).

The authoritative reference and input builder live on the scoring server;
editing this copy changes nothing except your own understanding.
"""

import jax, jax.numpy as jnp
import numpy as np

VOCAB = 100000
EMB_DIM = 64
CONTEXT = 20
BATCH = 1024


def setup_inputs(seed: int = 0) -> dict:
    key = jax.random.key(seed)
    k1, k2, k3, k4 = jax.random.split(key, 4)
    inputs = jax.random.randint(k1, (BATCH, CONTEXT), 0, VOCAB, dtype=jnp.int64 if jax.config.jax_enable_x64 else jnp.int32)
    emb_table = jax.random.normal(k2, (VOCAB, EMB_DIM), dtype=jnp.float32)
    # nn.Linear(embeddingDim, vocabSize): weight [vocab, emb_dim], bias [vocab]
    W = jax.random.normal(k3, (VOCAB, EMB_DIM), dtype=jnp.float32) * (1.0 / np.sqrt(EMB_DIM))
    b = jax.random.normal(k4, (VOCAB,), dtype=jnp.float32) * (1.0 / np.sqrt(EMB_DIM))
    return {"inputs": inputs, "emb_table": emb_table, "W": W, "b": b}


def reference(inputs, emb_table, W, b):
    # embeds = self.embeddings(inputs)  -> gather rows
    embeds = jnp.take(emb_table, inputs, axis=0)  # [B, C, D]
    # sum over context dim (-2)
    summed = embeds.sum(axis=-2)  # [B, D]
    # linear: out = summed @ W.T + b
    out = summed @ W.T + b  # [B, V]
    # log_softmax over last dim
    log_probs = jax.nn.log_softmax(out, axis=-1)
    return log_probs

if __name__ == "__main__":
    import jax
    _d = setup_inputs()
    print(jax.jit(kernel)(*tuple(_d.values())))

</pallas_src>

<mosaic_0001>
#map = affine_map<(d0, d1) -> (0, 0)>
#map1 = affine_map<(d0, d1) -> (0)>
module attributes {stable_mosaic.version = 14 : i64} {
  func.func @_sc_gather_sum_body(%arg0: i32, %arg1: i32, %arg2: memref<100000x128xf32, #tpu.memory_space<hbm>>, %arg3: memref<20480xi32, #tpu.memory_space<hbm>>, %arg4: memref<1024x128xf32, #tpu.memory_space<hbm>>, %arg5: memref<640xi32, #tpu.memory_space<vmem>>, %arg6: memref<640x128xf32, #tpu.memory_space<vmem>>, %arg7: memref<32x128xf32, #tpu.memory_space<vmem>>, %arg8: memref<!tpu.dma_semaphore, #tpu.memory_space<semaphore_mem>>) attributes {dimension_semantics = [#tpu.dimension_semantics<core_parallel>, #tpu.dimension_semantics<subcore_parallel>], iteration_bounds = array<i64: 2, 16>, scalar_prefetch = 0 : i64, scratch_operands = 4 : i64, tpu.core_type = #tpu.core_type<sc_vector_subcore>, window_params = [{transform_indices = #map}, {transform_indices = #map1}, {transform_indices = #map}]} {
    %mul3A = arith.constant 2 : i32
    %mul3A_0 = arith.muli %arg1, %mul3A : i32
    %add3A = arith.addi %mul3A_0, %arg0 : i32
    %mul3A_1 = arith.constant 32 : i32
    %mul3A_2 = arith.muli %add3A, %mul3A_1 : i32
    %add3A_3 = arith.constant 0 : i32
    %add3A_4 = arith.addi %add3A_3, %mul3A_2 : i32
    "tpu.region"() ({
      %run_scoped3A = tpu.sem_alloc : memref<!tpu.dma_semaphore, #tpu.memory_space<semaphore_mem>>
      %dma_start3A_51 = arith.constant 0 : i32
      %dma_start3A_52 = tpu.memref_slice %arg5[%dma_start3A_51] : memref<640xi32, #tpu.memory_space<vmem>> -> memref<32xi32, #tpu.memory_space<vmem>>
      %dma_start3A_53 = tpu.memref_slice %arg3[%add3A_4] : memref<20480xi32, #tpu.memory_space<hbm>> -> memref<32xi32, #tpu.memory_space<hbm>>
      %dma_start3A_54 = arith.constant 0 : i32
      %dma_start3A_55 = tpu.memref_slice %arg5[%dma_start3A_54] : memref<640xi32, #tpu.memory_space<vmem>> -> memref<32xi32, #tpu.memory_space<vmem>>
      %dma_start3A_56 = tpu.memref_slice %arg3[%add3A_4] : memref<20480xi32, #tpu.memory_space<hbm>> -> memref<32xi32, #tpu.memory_space<hbm>>
      tpu.enqueue_dma source(%dma_start3A_56 : memref<32xi32, #tpu.memory_space<hbm>>) target(%dma_start3A_55 : memref<32xi32, #tpu.memory_space<vmem>>) target_semaphore(%run_scoped3A : memref<!tpu.dma_semaphore, #tpu.memory_space<semaphore_mem>>)
      %dma_wait3A_57 = arith.constant 0 : i32
      %dma_wait3A_58 = tpu.memref_slice %arg5[%dma_wait3A_57] : memref<640xi32, #tpu.memory_space<vmem>> -> memref<32xi32, #tpu.memory_space<vmem>>
      %dma_wait3A_59 = tpu.memref_slice %arg3[%add3A_4] : memref<20480xi32, #tpu.memory_space<hbm>> -> memref<32xi32, #tpu.memory_space<hbm>>
      %dma_wait3A_60 = arith.constant 0 : i32
      %dma_wait3A_61 = tpu.memref_slice %arg5[%dma_wait3A_60] : memref<640xi32, #tpu.memory_space<vmem>> -> memref<32xi32, #tpu.memory_space<vmem>>
      %dma_wait3A_62 = tpu.memref_slice %arg3[%add3A_4] : memref<20480xi32, #tpu.memory_space<hbm>> -> memref<32xi32, #tpu.memory_space<hbm>>
      tpu.wait_dma2 semaphore(%run_scoped3A : memref<!tpu.dma_semaphore, #tpu.memory_space<semaphore_mem>>) src(%dma_wait3A_62 : memref<32xi32, #tpu.memory_space<hbm>>) dst(%dma_wait3A_61 : memref<32xi32, #tpu.memory_space<vmem>>)
      tpu.yield
    }) : () -> ()
    %add3A_5 = arith.constant 1024 : i32
    %add3A_6 = arith.addi %add3A_5, %mul3A_2 : i32
    "tpu.region"() ({
      %run_scoped3A = tpu.sem_alloc : memref<!tpu.dma_semaphore, #tpu.memory_space<semaphore_mem>>
      %dma_start3A_51 = arith.constant 32 : i32
      %dma_start3A_52 = tpu.memref_slice %arg5[%dma_start3A_51] : memref<640xi32, #tpu.memory_space<vmem>> -> memref<32xi32, #tpu.memory_space<vmem>>
      %dma_start3A_53 = tpu.memref_slice %arg3[%add3A_6] : memref<20480xi32, #tpu.memory_space<hbm>> -> memref<32xi32, #tpu.memory_space<hbm>>
      %dma_start3A_54 = arith.constant 32 : i32
      %dma_start3A_55 = tpu.memref_slice %arg5[%dma_start3A_54] : memref<640xi32, #tpu.memory_space<vmem>> -> memref<32xi32, #tpu.memory_space<vmem>>
      %dma_start3A_56 = tpu.memref_slice %arg3[%add3A_6] : memref<20480xi32, #tpu.memory_space<hbm>> -> memref<32xi32, #tpu.memory_space<hbm>>
      tpu.enqueue_dma source(%dma_start3A_56 : memref<32xi32, #tpu.memory_space<hbm>>) target(%dma_start3A_55 : memref<32xi32, #tpu.memory_space<vmem>>) target_semaphore(%run_scoped3A : memref<!tpu.dma_semaphore, #tpu.memory_space<semaphore_mem>>)
      %dma_wait3A_57 = arith.constant 32 : i32
      %dma_wait3A_58 = tpu.memref_slice %arg5[%dma_wait3A_57] : memref<640xi32, #tpu.memory_space<vmem>> -> memref<32xi32, #tpu.memory_space<vmem>>
      %dma_wait3A_59 = tpu.memref_slice %arg3[%add3A_6] : memref<20480xi32, #tpu.memory_space<hbm>> -> memref<32xi32, #tpu.memory_space<hbm>>
      %dma_wait3A_60 = arith.constant 32 : i32
      %dma_wait3A_61 = tpu.memref_slice %arg5[%dma_wait3A_60] : memref<640xi32, #tpu.memory_space<vmem>> -> memref<32xi32, #tpu.memory_space<vmem>>
      %dma_wait3A_62 = tpu.memref_slice %arg3[%add3A_6] : memref<20480xi32, #tpu.memory_space<hbm>> -> memref<32xi32, #tpu.memory_space<hbm>>
      tpu.wait_dma2 semaphore(%run_scoped3A : memref<!tpu.dma_semaphore, #tpu.memory_space<semaphore_mem>>) src(%dma_wait3A_62 : memref<32xi32, #tpu.memory_space<hbm>>) dst(%dma_wait3A_61 : memref<32xi32, #tpu.memory_space<vmem>>)
      tpu.yield
    }) : () -> ()
    %add3A_7 = arith.constant 2048 : i32
    %add3A_8 = arith.addi %add3A_7, %mul3A_2 : i32
    "tpu.region"() ({
      %run_scoped3A = tpu.sem_alloc : memref<!tpu.dma_semaphore, #tpu.memory_space<semaphore_mem>>
      %dma_start3A_51 = arith.constant 64 : i32
      %dma_start3A_52 = tpu.memref_slice %arg5[%dma_start3A_51] : memref<640xi32, #tpu.memory_space<vmem>> -> memref<32xi32, #tpu.memory_space<vmem>>
      %dma_start3A_53 = tpu.memref_slice %arg3[%add3A_8] : memref<20480xi32, #tpu.memory_space<hbm>> -> memref<32xi32, #tpu.memory_space<hbm>>
      %dma_start3A_54 = arith.constant 64 : i32
      %dma_start3A_55 = tpu.memref_slice %arg5[%dma_start3A_54] : memref<640xi32, #tpu.memory_space<vmem>> -> memref<32xi32, #tpu.memory_space<vmem>>
      %dma_start3A_56 = tpu.memref_slice %arg3[%add3A_8] : memref<20480xi32, #tpu.memory_space<hbm>> -> memref<32xi32, #tpu.memory_space<hbm>>
      tpu.enqueue_dma source(%dma_start3A_56 : memref<32xi32, #tpu.memory_space<hbm>>) target(%dma_start3A_55 : memref<32xi32, #tpu.memory_space<vmem>>) target_semaphore(%run_scoped3A : memref<!tpu.dma_semaphore, #tpu.memory_space<semaphore_mem>>)
      %dma_wait3A_57 = arith.constant 64 : i32
      %dma_wait3A_58 = tpu.memref_slice %arg5[%dma_wait3A_57] : memref<640xi32, #tpu.memory_space<vmem>> -> memref<32xi32, #tpu.memory_space<vmem>>
      %dma_wait3A_59 = tpu.memref_slice %arg3[%add3A_8] : memref<20480xi32, #tpu.memory_space<hbm>> -> memref<32xi32, #tpu.memory_space<hbm>>
      %dma_wait3A_60 = arith.constant 64 : i32
      %dma_wait3A_61 = tpu.memref_slice %arg5[%dma_wait3A_60] : memref<640xi32, #tpu.memory_space<vmem>> -> memref<32xi32, #tpu.memory_space<vmem>>
      %dma_wait3A_62 = tpu.memref_slice %arg3[%add3A_8] : memref<20480xi32, #tpu.memory_space<hbm>> -> memref<32xi32, #tpu.memory_space<hbm>>
      tpu.wait_dma2 semaphore(%run_scoped3A : memref<!tpu.dma_semaphore, #tpu.memory_space<semaphore_mem>>) src(%dma_wait3A_62 : memref<32xi32, #tpu.memory_space<hbm>>) dst(%dma_wait3A_61 : memref<32xi32, #tpu.memory_space<vmem>>)
      tpu.yield
    }) : () -> ()
    %add3A_9 = arith.constant 3072 : i32
    %add3A_10 = arith.addi %add3A_9, %mul3A_2 : i32
    "tpu.region"() ({
      %run_scoped3A = tpu.sem_alloc : memref<!tpu.dma_semaphore, #tpu.memory_space<semaphore_mem>>
      %dma_start3A_51 = arith.constant 96 : i32
      %dma_start3A_52 = tpu.memref_slice %arg5[%dma_start3A_51] : memref<640xi32, #tpu.memory_space<vmem>> -> memref<32xi32, #tpu.memory_space<vmem>>
      %dma_start3A_53 = tpu.memref_slice %arg3[%add3A_10] : memref<20480xi32, #tpu.memory_space<hbm>> -> memref<32xi32, #tpu.memory_space<hbm>>
      %dma_start3A_54 = arith.constant 96 : i32
      %dma_start3A_55 = tpu.memref_slice %arg5[%dma_start3A_54] : memref<640xi32, #tpu.memory_space<vmem>> -> memref<32xi32, #tpu.memory_space<vmem>>
      %dma_start3A_56 = tpu.memref_slice %arg3[%add3A_10] : memref<20480xi32, #tpu.memory_space<hbm>> -> memref<32xi32, #tpu.memory_space<hbm>>
      tpu.enqueue_dma source(%dma_start3A_56 : memref<32xi32, #tpu.memory_space<hbm>>) target(%dma_start3A_55 : memref<32xi32, #tpu.memory_space<vmem>>) target_semaphore(%run_scoped3A : memref<!tpu.dma_semaphore, #tpu.memory_space<semaphore_mem>>)
      %dma_wait3A_57 = arith.constant 96 : i32
      %dma_wait3A_58 = tpu.memref_slice %arg5[%dma_wait3A_57] : memref<640xi32, #tpu.memory_space<vmem>> -> memref<32xi32, #tpu.memory_space<vmem>>
      %dma_wait3A_59 = tpu.memref_slice %arg3[%add3A_10] : memref<20480xi32, #tpu.memory_space<hbm>> -> memref<32xi32, #tpu.memory_space<hbm>>
      %dma_wait3A_60 = arith.constant 96 : i32
      %dma_wait3A_61 = tpu.memref_slice %arg5[%dma_wait3A_60] : memref<640xi32, #tpu.memory_space<vmem>> -> memref<32xi32, #tpu.memory_space<vmem>>
      %dma_wait3A_62 = tpu.memref_slice %arg3[%add3A_10] : memref<20480xi32, #tpu.memory_space<hbm>> -> memref<32xi32, #tpu.memory_space<hbm>>
      tpu.wait_dma2 semaphore(%run_scoped3A : memref<!tpu.dma_semaphore, #tpu.memory_space<semaphore_mem>>) src(%dma_wait3A_62 : memref<32xi32, #tpu.memory_space<hbm>>) dst(%dma_wait3A_61 : memref<32xi32, #tpu.memory_space<vmem>>)
      tpu.yield
    }) : () -> ()
    %add3A_11 = arith.constant 4096 : i32
    %add3A_12 = arith.addi %add3A_11, %mul3A_2 : i32
    "tpu.region"() ({
      %run_scoped3A = tpu.sem_alloc : memref<!tpu.dma_semaphore, #tpu.memory_space<semaphore_mem>>
      %dma_start3A_51 = arith.constant 128 : i32
      %dma_start3A_52 = tpu.memref_slice %arg5[%dma_start3A_51] : memref<640xi32, #tpu.memory_space<vmem>> -> memref<32xi32, #tpu.memory_space<vmem>>
      %dma_start3A_53 = tpu.memref_slice %arg3[%add3A_12] : memref<20480xi32, #tpu.memory_space<hbm>> -> memref<32xi32, #tpu.memory_space<hbm>>
      %dma_start3A_54 = arith.constant 128 : i32
      %dma_start3A_55 = tpu.memref_slice %arg5[%dma_start3A_54] : memref<640xi32, #tpu.memory_space<vmem>> -> memref<32xi32, #tpu.memory_space<vmem>>
      %dma_start3A_56 = tpu.memref_slice %arg3[%add3A_12] : memref<20480xi32, #tpu.memory_space<hbm>> -> memref<32xi32, #tpu.memory_space<hbm>>
      tpu.enqueue_dma source(%dma_start3A_56 : memref<32xi32, #tpu.memory_space<hbm>>) target(%dma_start3A_55 : memref<32xi32, #tpu.memory_space<vmem>>) target_semaphore(%run_scoped3A : memref<!tpu.dma_semaphore, #tpu.memory_space<semaphore_mem>>)
      %dma_wait3A_57 = arith.constant 128 : i32
      %dma_wait3A_58 = tpu.memref_slice %arg5[%dma_wait3A_57] : memref<640xi32, #tpu.memory_space<vmem>> -> memref<32xi32, #tpu.memory_space<vmem>>
      %dma_wait3A_59 = tpu.memref_slice %arg3[%add3A_12] : memref<20480xi32, #tpu.memory_space<hbm>> -> memref<32xi32, #tpu.memory_space<hbm>>
      %dma_wait3A_60 = arith.constant 128 : i32
      %dma_wait3A_61 = tpu.memref_slice %arg5[%dma_wait3A_60] : memref<640xi32, #tpu.memory_space<vmem>> -> memref<32xi32, #tpu.memory_space<vmem>>
      %dma_wait3A_62 = tpu.memref_slice %arg3[%add3A_12] : memref<20480xi32, #tpu.memory_space<hbm>> -> memref<32xi32, #tpu.memory_space<hbm>>
      tpu.wait_dma2 semaphore(%run_scoped3A : memref<!tpu.dma_semaphore, #tpu.memory_space<semaphore_mem>>) src(%dma_wait3A_62 : memref<32xi32, #tpu.memory_space<hbm>>) dst(%dma_wait3A_61 : memref<32xi32, #tpu.memory_space<vmem>>)
      tpu.yield
    }) : () -> ()
    %add3A_13 = arith.constant 5120 : i32
    %add3A_14 = arith.addi %add3A_13, %mul3A_2 : i32
    "tpu.region"() ({
      %run_scoped3A = tpu.sem_alloc : memref<!tpu.dma_semaphore, #tpu.memory_space<semaphore_mem>>
      %dma_start3A_51 = arith.constant 160 : i32
      %dma_start3A_52 = tpu.memref_slice %arg5[%dma_start3A_51] : memref<640xi32, #tpu.memory_space<vmem>> -> memref<32xi32, #tpu.memory_space<vmem>>
      %dma_start3A_53 = tpu.memref_slice %arg3[%add3A_14] : memref<20480xi32, #tpu.memory_space<hbm>> -> memref<32xi32, #tpu.memory_space<hbm>>
      %dma_start3A_54 = arith.constant 160 : i32
      %dma_start3A_55 = tpu.memref_slice %arg5[%dma_start3A_54] : memref<640xi32, #tpu.memory_space<vmem>> -> memref<32xi32, #tpu.memory_space<vmem>>
      %dma_start3A_56 = tpu.memref_slice %arg3[%add3A_14] : memref<20480xi32, #tpu.memory_space<hbm>> -> memref<32xi32, #tpu.memory_space<hbm>>
      tpu.enqueue_dma source(%dma_start3A_56 : memref<32xi32, #tpu.memory_space<hbm>>) target(%dma_start3A_55 : memref<32xi32, #tpu.memory_space<vmem>>) target_semaphore(%run_scoped3A : memref<!tpu.dma_semaphore, #tpu.memory_space<semaphore_mem>>)
      %dma_wait3A_57 = arith.constant 160 : i32
      %dma_wait3A_58 = tpu.memref_slice %arg5[%dma_wait3A_57] : memref<640xi32, #tpu.memory_space<vmem>> -> memref<32xi32, #tpu.memory_space<vmem>>
      %dma_wait3A_59 = tpu.memref_slice %arg3[%add3A_14] : memref<20480xi32, #tpu.memory_space<hbm>> -> memref<32xi32, #tpu.memory_space<hbm>>
      %dma_wait3A_60 = arith.constant 160 : i32
      %dma_wait3A_61 = tpu.memref_slice %arg5[%dma_wait3A_60] : memref<640xi32, #tpu.memory_space<vmem>> -> memref<32xi32, #tpu.memory_space<vmem>>
      %dma_wait3A_62 = tpu.memref_slice %arg3[%add3A_14] : memref<20480xi32, #tpu.memory_space<hbm>> -> memref<32xi32, #tpu.memory_space<hbm>>
      tpu.wait_dma2 semaphore(%run_scoped3A : memref<!tpu.dma_semaphore, #tpu.memory_space<semaphore_mem>>) src(%dma_wait3A_62 : memref<32xi32, #tpu.memory_space<hbm>>) dst(%dma_wait3A_61 : memref<32xi32, #tpu.memory_space<vmem>>)
      tpu.yield
    }) : () -> ()
    %add3A_15 = arith.constant 6144 : i32
    %add3A_16 = arith.addi %add3A_15, %mul3A_2 : i32
    "tpu.region"() ({
      %run_scoped3A = tpu.sem_alloc : memref<!tpu.dma_semaphore, #tpu.memory_space<semaphore_mem>>
      %dma_start3A_51 = arith.constant 192 : i32
      %dma_start3A_52 = tpu.memref_slice %arg5[%dma_start3A_51] : memref<640xi32, #tpu.memory_space<vmem>> -> memref<32xi32, #tpu.memory_space<vmem>>
      %dma_start3A_53 = tpu.memref_slice %arg3[%add3A_16] : memref<20480xi32, #tpu.memory_space<hbm>> -> memref<32xi32, #tpu.memory_space<hbm>>
      %dma_start3A_54 = arith.constant 192 : i32
      %dma_start3A_55 = tpu.memref_slice %arg5[%dma_start3A_54] : memref<640xi32, #tpu.memory_space<vmem>> -> memref<32xi32, #tpu.memory_space<vmem>>
      %dma_start3A_56 = tpu.memref_slice %arg3[%add3A_16] : memref<20480xi32, #tpu.memory_space<hbm>> -> memref<32xi32, #tpu.memory_space<hbm>>
      tpu.enqueue_dma source(%dma_start3A_56 : memref<32xi32, #tpu.memory_space<hbm>>) target(%dma_start3A_55 : memref<32xi32, #tpu.memory_space<vmem>>) target_semaphore(%run_scoped3A : memref<!tpu.dma_semaphore, #tpu.memory_space<semaphore_mem>>)
      %dma_wait3A_57 = arith.constant 192 : i32
      %dma_wait3A_58 = tpu.memref_slice %arg5[%dma_wait3A_57] : memref<640xi32, #tpu.memory_space<vmem>> -> memref<32xi32, #tpu.memory_space<vmem>>
      %dma_wait3A_59 = tpu.memref_slice %arg3[%add3A_16] : memref<20480xi32, #tpu.memory_space<hbm>> -> memref<32xi32, #tpu.memory_space<hbm>>
      %dma_wait3A_60 = arith.constant 192 : i32
      %dma_wait3A_61 = tpu.memref_slice %arg5[%dma_wait3A_60] : memref<640xi32, #tpu.memory_space<vmem>> -> memref<32xi32, #tpu.memory_space<vmem>>
      %dma_wait3A_62 = tpu.memref_slice %arg3[%add3A_16] : memref<20480xi32, #tpu.memory_space<hbm>> -> memref<32xi32, #tpu.memory_space<hbm>>
      tpu.wait_dma2 semaphore(%run_scoped3A : memref<!tpu.dma_semaphore, #tpu.memory_space<semaphore_mem>>) src(%dma_wait3A_62 : memref<32xi32, #tpu.memory_space<hbm>>) dst(%dma_wait3A_61 : memref<32xi32, #tpu.memory_space<vmem>>)
      tpu.yield
    }) : () -> ()
    %add3A_17 = arith.constant 7168 : i32
    %add3A_18 = arith.addi %add3A_17, %mul3A_2 : i32
    "tpu.region"() ({
      %run_scoped3A = tpu.sem_alloc : memref<!tpu.dma_semaphore, #tpu.memory_space<semaphore_mem>>
      %dma_start3A_51 = arith.constant 224 : i32
      %dma_start3A_52 = tpu.memref_slice %arg5[%dma_start3A_51] : memref<640xi32, #tpu.memory_space<vmem>> -> memref<32xi32, #tpu.memory_space<vmem>>
      %dma_start3A_53 = tpu.memref_slice %arg3[%add3A_18] : memref<20480xi32, #tpu.memory_space<hbm>> -> memref<32xi32, #tpu.memory_space<hbm>>
      %dma_start3A_54 = arith.constant 224 : i32
      %dma_start3A_55 = tpu.memref_slice %arg5[%dma_start3A_54] : memref<640xi32, #tpu.memory_space<vmem>> -> memref<32xi32, #tpu.memory_space<vmem>>
      %dma_start3A_56 = tpu.memref_slice %arg3[%add3A_18] : memref<20480xi32, #tpu.memory_space<hbm>> -> memref<32xi32, #tpu.memory_space<hbm>>
      tpu.enqueue_dma source(%dma_start3A_56 : memref<32xi32, #tpu.memory_space<hbm>>) target(%dma_start3A_55 : memref<32xi32, #tpu.memory_space<vmem>>) target_semaphore(%run_scoped3A : memref<!tpu.dma_semaphore, #tpu.memory_space<semaphore_mem>>)
      %dma_wait3A_57 = arith.constant 224 : i32
      %dma_wait3A_58 = tpu.memref_slice %arg5[%dma_wait3A_57] : memref<640xi32, #tpu.memory_space<vmem>> -> memref<32xi32, #tpu.memory_space<vmem>>
      %dma_wait3A_59 = tpu.memref_slice %arg3[%add3A_18] : memref<20480xi32, #tpu.memory_space<hbm>> -> memref<32xi32, #tpu.memory_space<hbm>>
      %dma_wait3A_60 = arith.constant 224 : i32
      %dma_wait3A_61 = tpu.memref_slice %arg5[%dma_wait3A_60] : memref<640xi32, #tpu.memory_space<vmem>> -> memref<32xi32, #tpu.memory_space<vmem>>
      %dma_wait3A_62 = tpu.memref_slice %arg3[%add3A_18] : memref<20480xi32, #tpu.memory_space<hbm>> -> memref<32xi32, #tpu.memory_space<hbm>>
      tpu.wait_dma2 semaphore(%run_scoped3A : memref<!tpu.dma_semaphore, #tpu.memory_space<semaphore_mem>>) src(%dma_wait3A_62 : memref<32xi32, #tpu.memory_space<hbm>>) dst(%dma_wait3A_61 : memref<32xi32, #tpu.memory_space<vmem>>)
      tpu.yield
    }) : () -> ()
    %add3A_19 = arith.constant 8192 : i32
    %add3A_20 = arith.addi %add3A_19, %mul3A_2 : i32
    "tpu.region"() ({
      %run_scoped3A = tpu.sem_alloc : memref<!tpu.dma_semaphore, #tpu.memory_space<semaphore_mem>>
      %dma_start3A_51 = arith.constant 256 : i32
      %dma_start3A_52 = tpu.memref_slice %arg5[%dma_start3A_51] : memref<640xi32, #tpu.memory_space<vmem>> -> memref<32xi32, #tpu.memory_space<vmem>>
      %dma_start3A_53 = tpu.memref_slice %arg3[%add3A_20] : memref<20480xi32, #tpu.memory_space<hbm>> -> memref<32xi32, #tpu.memory_space<hbm>>
      %dma_start3A_54 = arith.constant 256 : i32
      %dma_start3A_55 = tpu.memref_slice %arg5[%dma_start3A_54] : memref<640xi32, #tpu.memory_space<vmem>> -> memref<32xi32, #tpu.memory_space<vmem>>
      %dma_start3A_56 = tpu.memref_slice %arg3[%add3A_20] : memref<20480xi32, #tpu.memory_space<hbm>> -> memref<32xi32, #tpu.memory_space<hbm>>
      tpu.enqueue_dma source(%dma_start3A_56 : memref<32xi32, #tpu.memory_space<hbm>>) target(%dma_start3A_55 : memref<32xi32, #tpu.memory_space<vmem>>) target_semaphore(%run_scoped3A : memref<!tpu.dma_semaphore, #tpu.memory_space<semaphore_mem>>)
      %dma_wait3A_57 = arith.constant 256 : i32
      %dma_wait3A_58 = tpu.memref_slice %arg5[%dma_wait3A_57] : memref<640xi32, #tpu.memory_space<vmem>> -> memref<32xi32, #tpu.memory_space<vmem>>
      %dma_wait3A_59 = tpu.memref_slice %arg3[%add3A_20] : memref<20480xi32, #tpu.memory_space<hbm>> -> memref<32xi32, #tpu.memory_space<hbm>>
      %dma_wait3A_60 = arith.constant 256 : i32
      %dma_wait3A_61 = tpu.memref_slice %arg5[%dma_wait3A_60] : memref<640xi32, #tpu.memory_space<vmem>> -> memref<32xi32, #tpu.memory_space<vmem>>
      %dma_wait3A_62 = tpu.memref_slice %arg3[%add3A_20] : memref<20480xi32, #tpu.memory_space<hbm>> -> memref<32xi32, #tpu.memory_space<hbm>>
      tpu.wait_dma2 semaphore(%run_scoped3A : memref<!tpu.dma_semaphore, #tpu.memory_space<semaphore_mem>>) src(%dma_wait3A_62 : memref<32xi32, #tpu.memory_space<hbm>>) dst(%dma_wait3A_61 : memref<32xi32, #tpu.memory_space<vmem>>)
      tpu.yield
    }) : () -> ()
    %add3A_21 = arith.constant 9216 : i32
    %add3A_22 = arith.addi %add3A_21, %mul3A_2 : i32
    "tpu.region"() ({
      %run_scoped3A = tpu.sem_alloc : memref<!tpu.dma_semaphore, #tpu.memory_space<semaphore_mem>>
      %dma_start3A_51 = arith.constant 288 : i32
      %dma_start3A_52 = tpu.memref_slice %arg5[%dma_start3A_51] : memref<640xi32, #tpu.memory_space<vmem>> -> memref<32xi32, #tpu.memory_space<vmem>>
      %dma_start3A_53 = tpu.memref_slice %arg3[%add3A_22] : memref<20480xi32, #tpu.memory_space<hbm>> -> memref<32xi32, #tpu.memory_space<hbm>>
      %dma_start3A_54 = arith.constant 288 : i32
      %dma_start3A_55 = tpu.memref_slice %arg5[%dma_start3A_54] : memref<640xi32, #tpu.memory_space<vmem>> -> memref<32xi32, #tpu.memory_space<vmem>>
      %dma_start3A_56 = tpu.memref_slice %arg3[%add3A_22] : memref<20480xi32, #tpu.memory_space<hbm>> -> memref<32xi32, #tpu.memory_space<hbm>>
      tpu.enqueue_dma source(%dma_start3A_56 : memref<32xi32, #tpu.memory_space<hbm>>) target(%dma_start3A_55 : memref<32xi32, #tpu.memory_space<vmem>>) target_semaphore(%run_scoped3A : memref<!tpu.dma_semaphore, #tpu.memory_space<semaphore_mem>>)
      %dma_wait3A_57 = arith.constant 288 : i32
      %dma_wait3A_58 = tpu.memref_slice %arg5[%dma_wait3A_57] : memref<640xi32, #tpu.memory_space<vmem>> -> memref<32xi32, #tpu.memory_space<vmem>>
      %dma_wait3A_59 = tpu.memref_slice %arg3[%add3A_22] : memref<20480xi32, #tpu.memory_space<hbm>> -> memref<32xi32, #tpu.memory_space<hbm>>
      %dma_wait3A_60 = arith.constant 288 : i32
      %dma_wait3A_61 = tpu.memref_slice %arg5[%dma_wait3A_60] : memref<640xi32, #tpu.memory_space<vmem>> -> memref<32xi32, #tpu.memory_space<vmem>>
      %dma_wait3A_62 = tpu.memref_slice %arg3[%add3A_22] : memref<20480xi32, #tpu.memory_space<hbm>> -> memref<32xi32, #tpu.memory_space<hbm>>
      tpu.wait_dma2 semaphore(%run_scoped3A : memref<!tpu.dma_semaphore, #tpu.memory_space<semaphore_mem>>) src(%dma_wait3A_62 : memref<32xi32, #tpu.memory_space<hbm>>) dst(%dma_wait3A_61 : memref<32xi32, #tpu.memory_space<vmem>>)
      tpu.yield
    }) : () -> ()
    %add3A_23 = arith.constant 10240 : i32
    %add3A_24 = arith.addi %add3A_23, %mul3A_2 : i32
    "tpu.region"() ({
      %run_scoped3A = tpu.sem_alloc : memref<!tpu.dma_semaphore, #tpu.memory_space<semaphore_mem>>
      %dma_start3A_51 = arith.constant 320 : i32
      %dma_start3A_52 = tpu.memref_slice %arg5[%dma_start3A_51] : memref<640xi32, #tpu.memory_space<vmem>> -> memref<32xi32, #tpu.memory_space<vmem>>
      %dma_start3A_53 = tpu.memref_slice %arg3[%add3A_24] : memref<20480xi32, #tpu.memory_space<hbm>> -> memref<32xi32, #tpu.memory_space<hbm>>
      %dma_start3A_54 = arith.constant 320 : i32
      %dma_start3A_55 = tpu.memref_slice %arg5[%dma_start3A_54] : memref<640xi32, #tpu.memory_space<vmem>> -> memref<32xi32, #tpu.memory_space<vmem>>
      %dma_start3A_56 = tpu.memref_slice %arg3[%add3A_24] : memref<20480xi32, #tpu.memory_space<hbm>> -> memref<32xi32, #tpu.memory_space<hbm>>
      tpu.enqueue_dma source(%dma_start3A_56 : memref<32xi32, #tpu.memory_space<hbm>>) target(%dma_start3A_55 : memref<32xi32, #tpu.memory_space<vmem>>) target_semaphore(%run_scoped3A : memref<!tpu.dma_semaphore, #tpu.memory_space<semaphore_mem>>)
      %dma_wait3A_57 = arith.constant 320 : i32
      %dma_wait3A_58 = tpu.memref_slice %arg5[%dma_wait3A_57] : memref<640xi32, #tpu.memory_space<vmem>> -> memref<32xi32, #tpu.memory_space<vmem>>
      %dma_wait3A_59 = tpu.memref_slice %arg3[%add3A_24] : memref<20480xi32, #tpu.memory_space<hbm>> -> memref<32xi32, #tpu.memory_space<hbm>>
      %dma_wait3A_60 = arith.constant 320 : i32
      %dma_wait3A_61 = tpu.memref_slice %arg5[%dma_wait3A_60] : memref<640xi32, #tpu.memory_space<vmem>> -> memref<32xi32, #tpu.memory_space<vmem>>
      %dma_wait3A_62 = tpu.memref_slice %arg3[%add3A_24] : memref<20480xi32, #tpu.memory_space<hbm>> -> memref<32xi32, #tpu.memory_space<hbm>>
      tpu.wait_dma2 semaphore(%run_scoped3A : memref<!tpu.dma_semaphore, #tpu.memory_space<semaphore_mem>>) src(%dma_wait3A_62 : memref<32xi32, #tpu.memory_space<hbm>>) dst(%dma_wait3A_61 : memref<32xi32, #tpu.memory_space<vmem>>)
      tpu.yield
    }) : () -> ()
    %add3A_25 = arith.constant 11264 : i32
    %add3A_26 = arith.addi %add3A_25, %mul3A_2 : i32
    "tpu.region"() ({
      %run_scoped3A = tpu.sem_alloc : memref<!tpu.dma_semaphore, #tpu.memory_space<semaphore_mem>>
      %dma_start3A_51 = arith.constant 352 : i32
      %dma_start3A_52 = tpu.memref_slice %arg5[%dma_start3A_51] : memref<640xi32, #tpu.memory_space<vmem>> -> memref<32xi32, #tpu.memory_space<vmem>>
      %dma_start3A_53 = tpu.memref_slice %arg3[%add3A_26] : memref<20480xi32, #tpu.memory_space<hbm>> -> memref<32xi32, #tpu.memory_space<hbm>>
      %dma_start3A_54 = arith.constant 352 : i32
      %dma_start3A_55 = tpu.memref_slice %arg5[%dma_start3A_54] : memref<640xi32, #tpu.memory_space<vmem>> -> memref<32xi32, #tpu.memory_space<vmem>>
      %dma_start3A_56 = tpu.memref_slice %arg3[%add3A_26] : memref<20480xi32, #tpu.memory_space<hbm>> -> memref<32xi32, #tpu.memory_space<hbm>>
      tpu.enqueue_dma source(%dma_start3A_56 : memref<32xi32, #tpu.memory_space<hbm>>) target(%dma_start3A_55 : memref<32xi32, #tpu.memory_space<vmem>>) target_semaphore(%run_scoped3A : memref<!tpu.dma_semaphore, #tpu.memory_space<semaphore_mem>>)
      %dma_wait3A_57 = arith.constant 352 : i32
      %dma_wait3A_58 = tpu.memref_slice %arg5[%dma_wait3A_57] : memref<640xi32, #tpu.memory_space<vmem>> -> memref<32xi32, #tpu.memory_space<vmem>>
      %dma_wait3A_59 = tpu.memref_slice %arg3[%add3A_26] : memref<20480xi32, #tpu.memory_space<hbm>> -> memref<32xi32, #tpu.memory_space<hbm>>
      %dma_wait3A_60 = arith.constant 352 : i32
      %dma_wait3A_61 = tpu.memref_slice %arg5[%dma_wait3A_60] : memref<640xi32, #tpu.memory_space<vmem>> -> memref<32xi32, #tpu.memory_space<vmem>>
      %dma_wait3A_62 = tpu.memref_slice %arg3[%add3A_26] : memref<20480xi32, #tpu.memory_space<hbm>> -> memref<32xi32, #tpu.memory_space<hbm>>
      tpu.wait_dma2 semaphore(%run_scoped3A : memref<!tpu.dma_semaphore, #tpu.memory_space<semaphore_mem>>) src(%dma_wait3A_62 : memref<32xi32, #tpu.memory_space<hbm>>) dst(%dma_wait3A_61 : memref<32xi32, #tpu.memory_space<vmem>>)
      tpu.yield
    }) : () -> ()
    %add3A_27 = arith.constant 12288 : i32
    %add3A_28 = arith.addi %add3A_27, %mul3A_2 : i32
    "tpu.region"() ({
      %run_scoped3A = tpu.sem_alloc : memref<!tpu.dma_semaphore, #tpu.memory_space<semaphore_mem>>
      %dma_start3A_51 = arith.constant 384 : i32
      %dma_start3A_52 = tpu.memref_slice %arg5[%dma_start3A_51] : memref<640xi32, #tpu.memory_space<vmem>> -> memref<32xi32, #tpu.memory_space<vmem>>
      %dma_start3A_53 = tpu.memref_slice %arg3[%add3A_28] : memref<20480xi32, #tpu.memory_space<hbm>> -> memref<32xi32, #tpu.memory_space<hbm>>
      %dma_start3A_54 = arith.constant 384 : i32
      %dma_start3A_55 = tpu.memref_slice %arg5[%dma_start3A_54] : memref<640xi32, #tpu.memory_space<vmem>> -> memref<32xi32, #tpu.memory_space<vmem>>
      %dma_start3A_56 = tpu.memref_slice %arg3[%add3A_28] : memref<20480xi32, #tpu.memory_space<hbm>> -> memref<32xi32, #tpu.memory_space<hbm>>
      tpu.enqueue_dma source(%dma_start3A_56 : memref<32xi32, #tpu.memory_space<hbm>>) target(%dma_start3A_55 : memref<32xi32, #tpu.memory_space<vmem>>) target_semaphore(%run_scoped3A : memref<!tpu.dma_semaphore, #tpu.memory_space<semaphore_mem>>)
      %dma_wait3A_57 = arith.constant 384 : i32
      %dma_wait3A_58 = tpu.memref_slice %arg5[%dma_wait3A_57] : memref<640xi32, #tpu.memory_space<vmem>> -> memref<32xi32, #tpu.memory_space<vmem>>
      %dma_wait3A_59 = tpu.memref_slice %arg3[%add3A_28] : memref<20480xi32, #tpu.memory_space<hbm>> -> memref<32xi32, #tpu.memory_space<hbm>>
      %dma_wait3A_60 = arith.constant 384 : i32
      %dma_wait3A_61 = tpu.memref_slice %arg5[%dma_wait3A_60] : memref<640xi32, #tpu.memory_space<vmem>> -> memref<32xi32, #tpu.memory_space<vmem>>
      %dma_wait3A_62 = tpu.memref_slice %arg3[%add3A_28] : memref<20480xi32, #tpu.memory_space<hbm>> -> memref<32xi32, #tpu.memory_space<hbm>>
      tpu.wait_dma2 semaphore(%run_scoped3A : memref<!tpu.dma_semaphore, #tpu.memory_space<semaphore_mem>>) src(%dma_wait3A_62 : memref<32xi32, #tpu.memory_space<hbm>>) dst(%dma_wait3A_61 : memref<32xi32, #tpu.memory_space<vmem>>)
      tpu.yield
    }) : () -> ()
    %add3A_29 = arith.constant 13312 : i32
    %add3A_30 = arith.addi %add3A_29, %mul3A_2 : i32
    "tpu.region"() ({
      %run_scoped3A = tpu.sem_alloc : memref<!tpu.dma_semaphore, #tpu.memory_space<semaphore_mem>>
      %dma_start3A_51 = arith.constant 416 : i32
      %dma_start3A_52 = tpu.memref_slice %arg5[%dma_start3A_51] : memref<640xi32, #tpu.memory_space<vmem>> -> memref<32xi32, #tpu.memory_space<vmem>>
      %dma_start3A_53 = tpu.memref_slice %arg3[%add3A_30] : memref<20480xi32, #tpu.memory_space<hbm>> -> memref<32xi32, #tpu.memory_space<hbm>>
      %dma_start3A_54 = arith.constant 416 : i32
      %dma_start3A_55 = tpu.memref_slice %arg5[%dma_start3A_54] : memref<640xi32, #tpu.memory_space<vmem>> -> memref<32xi32, #tpu.memory_space<vmem>>
      %dma_start3A_56 = tpu.memref_slice %arg3[%add3A_30] : memref<20480xi32, #tpu.memory_space<hbm>> -> memref<32xi32, #tpu.memory_space<hbm>>
      tpu.enqueue_dma source(%dma_start3A_56 : memref<32xi32, #tpu.memory_space<hbm>>) target(%dma_start3A_55 : memref<32xi32, #tpu.memory_space<vmem>>) target_semaphore(%run_scoped3A : memref<!tpu.dma_semaphore, #tpu.memory_space<semaphore_mem>>)
      %dma_wait3A_57 = arith.constant 416 : i32
      %dma_wait3A_58 = tpu.memref_slice %arg5[%dma_wait3A_57] : memref<640xi32, #tpu.memory_space<vmem>> -> memref<32xi32, #tpu.memory_space<vmem>>
      %dma_wait3A_59 = tpu.memref_slice %arg3[%add3A_30] : memref<20480xi32, #tpu.memory_space<hbm>> -> memref<32xi32, #tpu.memory_space<hbm>>
      %dma_wait3A_60 = arith.constant 416 : i32
      %dma_wait3A_61 = tpu.memref_slice %arg5[%dma_wait3A_60] : memref<640xi32, #tpu.memory_space<vmem>> -> memref<32xi32, #tpu.memory_space<vmem>>
      %dma_wait3A_62 = tpu.memref_slice %arg3[%add3A_30] : memref<20480xi32, #tpu.memory_space<hbm>> -> memref<32xi32, #tpu.memory_space<hbm>>
      tpu.wait_dma2 semaphore(%run_scoped3A : memref<!tpu.dma_semaphore, #tpu.memory_space<semaphore_mem>>) src(%dma_wait3A_62 : memref<32xi32, #tpu.memory_space<hbm>>) dst(%dma_wait3A_61 : memref<32xi32, #tpu.memory_space<vmem>>)
      tpu.yield
    }) : () -> ()
    %add3A_31 = arith.constant 14336 : i32
    %add3A_32 = arith.addi %add3A_31, %mul3A_2 : i32
    "tpu.region"() ({
      %run_scoped3A = tpu.sem_alloc : memref<!tpu.dma_semaphore, #tpu.memory_space<semaphore_mem>>
      %dma_start3A_51 = arith.constant 448 : i32
      %dma_start3A_52 = tpu.memref_slice %arg5[%dma_start3A_51] : memref<640xi32, #tpu.memory_space<vmem>> -> memref<32xi32, #tpu.memory_space<vmem>>
      %dma_start3A_53 = tpu.memref_slice %arg3[%add3A_32] : memref<20480xi32, #tpu.memory_space<hbm>> -> memref<32xi32, #tpu.memory_space<hbm>>
      %dma_start3A_54 = arith.constant 448 : i32
      %dma_start3A_55 = tpu.memref_slice %arg5[%dma_start3A_54] : memref<640xi32, #tpu.memory_space<vmem>> -> memref<32xi32, #tpu.memory_space<vmem>>
      %dma_start3A_56 = tpu.memref_slice %arg3[%add3A_32] : memref<20480xi32, #tpu.memory_space<hbm>> -> memref<32xi32, #tpu.memory_space<hbm>>
      tpu.enqueue_dma source(%dma_start3A_56 : memref<32xi32, #tpu.memory_space<hbm>>) target(%dma_start3A_55 : memref<32xi32, #tpu.memory_space<vmem>>) target_semaphore(%run_scoped3A : memref<!tpu.dma_semaphore, #tpu.memory_space<semaphore_mem>>)
      %dma_wait3A_57 = arith.constant 448 : i32
      %dma_wait3A_58 = tpu.memref_slice %arg5[%dma_wait3A_57] : memref<640xi32, #tpu.memory_space<vmem>> -> memref<32xi32, #tpu.memory_space<vmem>>
      %dma_wait3A_59 = tpu.memref_slice %arg3[%add3A_32] : memref<20480xi32, #tpu.memory_space<hbm>> -> memref<32xi32, #tpu.memory_space<hbm>>
      %dma_wait3A_60 = arith.constant 448 : i32
      %dma_wait3A_61 = tpu.memref_slice %arg5[%dma_wait3A_60] : memref<640xi32, #tpu.memory_space<vmem>> -> memref<32xi32, #tpu.memory_space<vmem>>
      %dma_wait3A_62 = tpu.memref_slice %arg3[%add3A_32] : memref<20480xi32, #tpu.memory_space<hbm>> -> memref<32xi32, #tpu.memory_space<hbm>>
      tpu.wait_dma2 semaphore(%run_scoped3A : memref<!tpu.dma_semaphore, #tpu.memory_space<semaphore_mem>>) src(%dma_wait3A_62 : memref<32xi32, #tpu.memory_space<hbm>>) dst(%dma_wait3A_61 : memref<32xi32, #tpu.memory_space<vmem>>)
      tpu.yield
    }) : () -> ()
    %add3A_33 = arith.constant 15360 : i32
    %add3A_34 = arith.addi %add3A_33, %mul3A_2 : i32
    "tpu.region"() ({
      %run_scoped3A = tpu.sem_alloc : memref<!tpu.dma_semaphore, #tpu.memory_space<semaphore_mem>>
      %dma_start3A_51 = arith.constant 480 : i32
      %dma_start3A_52 = tpu.memref_slice %arg5[%dma_start3A_51] : memref<640xi32, #tpu.memory_space<vmem>> -> memref<32xi32, #tpu.memory_space<vmem>>
      %dma_start3A_53 = tpu.memref_slice %arg3[%add3A_34] : memref<20480xi32, #tpu.memory_space<hbm>> -> memref<32xi32, #tpu.memory_space<hbm>>
      %dma_start3A_54 = arith.constant 480 : i32
      %dma_start3A_55 = tpu.memref_slice %arg5[%dma_start3A_54] : memref<640xi32, #tpu.memory_space<vmem>> -> memref<32xi32, #tpu.memory_space<vmem>>
      %dma_start3A_56 = tpu.memref_slice %arg3[%add3A_34] : memref<20480xi32, #tpu.memory_space<hbm>> -> memref<32xi32, #tpu.memory_space<hbm>>
      tpu.enqueue_dma source(%dma_start3A_56 : memref<32xi32, #tpu.memory_space<hbm>>) target(%dma_start3A_55 : memref<32xi32, #tpu.memory_space<vmem>>) target_semaphore(%run_scoped3A : memref<!tpu.dma_semaphore, #tpu.memory_space<semaphore_mem>>)
      %dma_wait3A_57 = arith.constant 480 : i32
      %dma_wait3A_58 = tpu.memref_slice %arg5[%dma_wait3A_57] : memref<640xi32, #tpu.memory_space<vmem>> -> memref<32xi32, #tpu.memory_space<vmem>>
      %dma_wait3A_59 = tpu.memref_slice %arg3[%add3A_34] : memref<20480xi32, #tpu.memory_space<hbm>> -> memref<32xi32, #tpu.memory_space<hbm>>
      %dma_wait3A_60 = arith.constant 480 : i32
      %dma_wait3A_61 = tpu.memref_slice %arg5[%dma_wait3A_60] : memref<640xi32, #tpu.memory_space<vmem>> -> memref<32xi32, #tpu.memory_space<vmem>>
      %dma_wait3A_62 = tpu.memref_slice %arg3[%add3A_34] : memref<20480xi32, #tpu.memory_space<hbm>> -> memref<32xi32, #tpu.memory_space<hbm>>
      tpu.wait_dma2 semaphore(%run_scoped3A : memref<!tpu.dma_semaphore, #tpu.memory_space<semaphore_mem>>) src(%dma_wait3A_62 : memref<32xi32, #tpu.memory_space<hbm>>) dst(%dma_wait3A_61 : memref<32xi32, #tpu.memory_space<vmem>>)
      tpu.yield
    }) : () -> ()
    %add3A_35 = arith.constant 16384 : i32
    %add3A_36 = arith.addi %add3A_35, %mul3A_2 : i32
    "tpu.region"() ({
      %run_scoped3A = tpu.sem_alloc : memref<!tpu.dma_semaphore, #tpu.memory_space<semaphore_mem>>
      %dma_start3A_51 = arith.constant 512 : i32
      %dma_start3A_52 = tpu.memref_slice %arg5[%dma_start3A_51] : memref<640xi32, #tpu.memory_space<vmem>> -> memref<32xi32, #tpu.memory_space<vmem>>
      %dma_start3A_53 = tpu.memref_slice %arg3[%add3A_36] : memref<20480xi32, #tpu.memory_space<hbm>> -> memref<32xi32, #tpu.memory_space<hbm>>
      %dma_start3A_54 = arith.constant 512 : i32
      %dma_start3A_55 = tpu.memref_slice %arg5[%dma_start3A_54] : memref<640xi32, #tpu.memory_space<vmem>> -> memref<32xi32, #tpu.memory_space<vmem>>
      %dma_start3A_56 = tpu.memref_slice %arg3[%add3A_36] : memref<20480xi32, #tpu.memory_space<hbm>> -> memref<32xi32, #tpu.memory_space<hbm>>
      tpu.enqueue_dma source(%dma_start3A_56 : memref<32xi32, #tpu.memory_space<hbm>>) target(%dma_start3A_55 : memref<32xi32, #tpu.memory_space<vmem>>) target_semaphore(%run_scoped3A : memref<!tpu.dma_semaphore, #tpu.memory_space<semaphore_mem>>)
      %dma_wait3A_57 = arith.constant 512 : i32
      %dma_wait3A_58 = tpu.memref_slice %arg5[%dma_wait3A_57] : memref<640xi32, #tpu.memory_space<vmem>> -> memref<32xi32, #tpu.memory_space<vmem>>
      %dma_wait3A_59 = tpu.memref_slice %arg3[%add3A_36] : memref<20480xi32, #tpu.memory_space<hbm>> -> memref<32xi32, #tpu.memory_space<hbm>>
      %dma_wait3A_60 = arith.constant 512 : i32
      %dma_wait3A_61 = tpu.memref_slice %arg5[%dma_wait3A_60] : memref<640xi32, #tpu.memory_space<vmem>> -> memref<32xi32, #tpu.memory_space<vmem>>
      %dma_wait3A_62 = tpu.memref_slice %arg3[%add3A_36] : memref<20480xi32, #tpu.memory_space<hbm>> -> memref<32xi32, #tpu.memory_space<hbm>>
      tpu.wait_dma2 semaphore(%run_scoped3A : memref<!tpu.dma_semaphore, #tpu.memory_space<semaphore_mem>>) src(%dma_wait3A_62 : memref<32xi32, #tpu.memory_space<hbm>>) dst(%dma_wait3A_61 : memref<32xi32, #tpu.memory_space<vmem>>)
      tpu.yield
    }) : () -> ()
    %add3A_37 = arith.constant 17408 : i32
    %add3A_38 = arith.addi %add3A_37, %mul3A_2 : i32
    "tpu.region"() ({
      %run_scoped3A = tpu.sem_alloc : memref<!tpu.dma_semaphore, #tpu.memory_space<semaphore_mem>>
      %dma_start3A_51 = arith.constant 544 : i32
      %dma_start3A_52 = tpu.memref_slice %arg5[%dma_start3A_51] : memref<640xi32, #tpu.memory_space<vmem>> -> memref<32xi32, #tpu.memory_space<vmem>>
      %dma_start3A_53 = tpu.memref_slice %arg3[%add3A_38] : memref<20480xi32, #tpu.memory_space<hbm>> -> memref<32xi32, #tpu.memory_space<hbm>>
      %dma_start3A_54 = arith.constant 544 : i32
      %dma_start3A_55 = tpu.memref_slice %arg5[%dma_start3A_54] : memref<640xi32, #tpu.memory_space<vmem>> -> memref<32xi32, #tpu.memory_space<vmem>>
      %dma_start3A_56 = tpu.memref_slice %arg3[%add3A_38] : memref<20480xi32, #tpu.memory_space<hbm>> -> memref<32xi32, #tpu.memory_space<hbm>>
      tpu.enqueue_dma source(%dma_start3A_56 : memref<32xi32, #tpu.memory_space<hbm>>) target(%dma_start3A_55 : memref<32xi32, #tpu.memory_space<vmem>>) target_semaphore(%run_scoped3A : memref<!tpu.dma_semaphore, #tpu.memory_space<semaphore_mem>>)
      %dma_wait3A_57 = arith.constant 544 : i32
      %dma_wait3A_58 = tpu.memref_slice %arg5[%dma_wait3A_57] : memref<640xi32, #tpu.memory_space<vmem>> -> memref<32xi32, #tpu.memory_space<vmem>>
      %dma_wait3A_59 = tpu.memref_slice %arg3[%add3A_38] : memref<20480xi32, #tpu.memory_space<hbm>> -> memref<32xi32, #tpu.memory_space<hbm>>
      %dma_wait3A_60 = arith.constant 544 : i32
      %dma_wait3A_61 = tpu.memref_slice %arg5[%dma_wait3A_60] : memref<640xi32, #tpu.memory_space<vmem>> -> memref<32xi32, #tpu.memory_space<vmem>>
      %dma_wait3A_62 = tpu.memref_slice %arg3[%add3A_38] : memref<20480xi32, #tpu.memory_space<hbm>> -> memref<32xi32, #tpu.memory_space<hbm>>
      tpu.wait_dma2 semaphore(%run_scoped3A : memref<!tpu.dma_semaphore, #tpu.memory_space<semaphore_mem>>) src(%dma_wait3A_62 : memref<32xi32, #tpu.memory_space<hbm>>) dst(%dma_wait3A_61 : memref<32xi32, #tpu.memory_space<vmem>>)
      tpu.yield
    }) : () -> ()
    %add3A_39 = arith.constant 18432 : i32
    %add3A_40 = arith.addi %add3A_39, %mul3A_2 : i32
    "tpu.region"() ({
      %run_scoped3A = tpu.sem_alloc : memref<!tpu.dma_semaphore, #tpu.memory_space<semaphore_mem>>
      %dma_start3A_51 = arith.constant 576 : i32
      %dma_start3A_52 = tpu.memref_slice %arg5[%dma_start3A_51] : memref<640xi32, #tpu.memory_space<vmem>> -> memref<32xi32, #tpu.memory_space<vmem>>
      %dma_start3A_53 = tpu.memref_slice %arg3[%add3A_40] : memref<20480xi32, #tpu.memory_space<hbm>> -> memref<32xi32, #tpu.memory_space<hbm>>
      %dma_start3A_54 = arith.constant 576 : i32
      %dma_start3A_55 = tpu.memref_slice %arg5[%dma_start3A_54] : memref<640xi32, #tpu.memory_space<vmem>> -> memref<32xi32, #tpu.memory_space<vmem>>
      %dma_start3A_56 = tpu.memref_slice %arg3[%add3A_40] : memref<20480xi32, #tpu.memory_space<hbm>> -> memref<32xi32, #tpu.memory_space<hbm>>
      tpu.enqueue_dma source(%dma_start3A_56 : memref<32xi32, #tpu.memory_space<hbm>>) target(%dma_start3A_55 : memref<32xi32, #tpu.memory_space<vmem>>) target_semaphore(%run_scoped3A : memref<!tpu.dma_semaphore, #tpu.memory_space<semaphore_mem>>)
      %dma_wait3A_57 = arith.constant 576 : i32
      %dma_wait3A_58 = tpu.memref_slice %arg5[%dma_wait3A_57] : memref<640xi32, #tpu.memory_space<vmem>> -> memref<32xi32, #tpu.memory_space<vmem>>
      %dma_wait3A_59 = tpu.memref_slice %arg3[%add3A_40] : memref<20480xi32, #tpu.memory_space<hbm>> -> memref<32xi32, #tpu.memory_space<hbm>>
      %dma_wait3A_60 = arith.constant 576 : i32
      %dma_wait3A_61 = tpu.memref_slice %arg5[%dma_wait3A_60] : memref<640xi32, #tpu.memory_space<vmem>> -> memref<32xi32, #tpu.memory_space<vmem>>
      %dma_wait3A_62 = tpu.memref_slice %arg3[%add3A_40] : memref<20480xi32, #tpu.memory_space<hbm>> -> memref<32xi32, #tpu.memory_space<hbm>>
      tpu.wait_dma2 semaphore(%run_scoped3A : memref<!tpu.dma_semaphore, #tpu.memory_space<semaphore_mem>>) src(%dma_wait3A_62 : memref<32xi32, #tpu.memory_space<hbm>>) dst(%dma_wait3A_61 : memref<32xi32, #tpu.memory_space<vmem>>)
      tpu.yield
    }) : () -> ()
    %add3A_41 = arith.constant 19456 : i32
    %add3A_42 = arith.addi %add3A_41, %mul3A_2 : i32
    "tpu.region"() ({
      %run_scoped3A = tpu.sem_alloc : memref<!tpu.dma_semaphore, #tpu.memory_space<semaphore_mem>>
      %dma_start3A_51 = arith.constant 608 : i32
      %dma_start3A_52 = tpu.memref_slice %arg5[%dma_start3A_51] : memref<640xi32, #tpu.memory_space<vmem>> -> memref<32xi32, #tpu.memory_space<vmem>>
      %dma_start3A_53 = tpu.memref_slice %arg3[%add3A_42] : memref<20480xi32, #tpu.memory_space<hbm>> -> memref<32xi32, #tpu.memory_space<hbm>>
      %dma_start3A_54 = arith.constant 608 : i32
      %dma_start3A_55 = tpu.memref_slice %arg5[%dma_start3A_54] : memref<640xi32, #tpu.memory_space<vmem>> -> memref<32xi32, #tpu.memory_space<vmem>>
      %dma_start3A_56 = tpu.memref_slice %arg3[%add3A_42] : memref<20480xi32, #tpu.memory_space<hbm>> -> memref<32xi32, #tpu.memory_space<hbm>>
      tpu.enqueue_dma source(%dma_start3A_56 : memref<32xi32, #tpu.memory_space<hbm>>) target(%dma_start3A_55 : memref<32xi32, #tpu.memory_space<vmem>>) target_semaphore(%run_scoped3A : memref<!tpu.dma_semaphore, #tpu.memory_space<semaphore_mem>>)
      %dma_wait3A_57 = arith.constant 608 : i32
      %dma_wait3A_58 = tpu.memref_slice %arg5[%dma_wait3A_57] : memref<640xi32, #tpu.memory_space<vmem>> -> memref<32xi32, #tpu.memory_space<vmem>>
      %dma_wait3A_59 = tpu.memref_slice %arg3[%add3A_42] : memref<20480xi32, #tpu.memory_space<hbm>> -> memref<32xi32, #tpu.memory_space<hbm>>
      %dma_wait3A_60 = arith.constant 608 : i32
      %dma_wait3A_61 = tpu.memref_slice %arg5[%dma_wait3A_60] : memref<640xi32, #tpu.memory_space<vmem>> -> memref<32xi32, #tpu.memory_space<vmem>>
      %dma_wait3A_62 = tpu.memref_slice %arg3[%add3A_42] : memref<20480xi32, #tpu.memory_space<hbm>> -> memref<32xi32, #tpu.memory_space<hbm>>
      tpu.wait_dma2 semaphore(%run_scoped3A : memref<!tpu.dma_semaphore, #tpu.memory_space<semaphore_mem>>) src(%dma_wait3A_62 : memref<32xi32, #tpu.memory_space<hbm>>) dst(%dma_wait3A_61 : memref<32xi32, #tpu.memory_space<vmem>>)
      tpu.yield
    }) : () -> ()
    %dma_start3A = arith.constant 0 : i32
    %dma_start3A_43 = arith.constant 0 : i32
    %dma_start3A_44 = tpu.memref_slice %arg2[%dma_start3A, %dma_start3A_43] : memref<100000x128xf32, #tpu.memory_space<hbm>> -> memref<100000x128xf32, #tpu.memory_space<hbm>>
    tpu.enqueue_indirect_dma source(%dma_start3A_44 : memref<100000x128xf32, #tpu.memory_space<hbm>>) target(%arg6 : memref<640x128xf32, #tpu.memory_space<vmem>>) offsets(%arg5 : memref<640xi32, #tpu.memory_space<vmem>>) semaphore(%arg8 : memref<!tpu.dma_semaphore, #tpu.memory_space<semaphore_mem>>)
    %dma_wait3A = arith.constant 0 : i32
    %dma_wait3A_45 = arith.constant 0 : i32
    %dma_wait3A_46 = tpu.memref_slice %arg2[%dma_wait3A, %dma_wait3A_45] : memref<100000x128xf32, #tpu.memory_space<hbm>> -> memref<100000x128xf32, #tpu.memory_space<hbm>>
    tpu.wait_indirect_dma semaphore(%arg8 : memref<!tpu.dma_semaphore, #tpu.memory_space<semaphore_mem>>) src(%dma_wait3A_46 : memref<100000x128xf32, #tpu.memory_space<hbm>>) dst(%arg6 : memref<640x128xf32, #tpu.memory_space<vmem>>)
    %scan3A = arith.constant 0 : i32
    %scan3A_47 = arith.constant 32 : i32
    %scan3A_48 = arith.addi %scan3A, %scan3A_47 : i32
    %scan3A_49 = arith.constant 1 : i32
    scf.for %scan3A_51 = %scan3A to %scan3A_48 step %scan3A_49  : i32 {
      %mul3A_52 = arith.constant 1 : i32
      %mul3A_53 = arith.muli %scan3A_51, %mul3A_52 : i32
      %add3A_54 = arith.constant 0 : i32
      %add3A_55 = arith.addi %add3A_54, %mul3A_53 : i32
      %get3A = arith.index_cast %add3A_55 : i32 to index
      %get3A_56 = arith.constant 0 : index
      %get3A_57 = tpu.vector_load %arg6[%get3A, %get3A_56] {strides = array<i32>} : memref<640x128xf32, #tpu.memory_space<vmem>>, vector<1x16xf32>,
      %get3A_58 = vector.shape_cast %get3A_57 : vector<1x16xf32> to vector<16xf32>
      %add3A_59 = arith.constant 32 : i32
      %add3A_60 = arith.addi %add3A_59, %add3A_55 : i32
      %get3A_61 = arith.index_cast %add3A_60 : i32 to index
      %get3A_62 = arith.constant 0 : index
      %get3A_63 = tpu.vector_load %arg6[%get3A_61, %get3A_62] {strides = array<i32>} : memref<640x128xf32, #tpu.memory_space<vmem>>, vector<1x16xf32>,
      %get3A_64 = vector.shape_cast %get3A_63 : vector<1x16xf32> to vector<16xf32>
      %add3A_65 = arith.addf %get3A_58, %get3A_64 : vector<16xf32>
      %add3A_66 = arith.constant 64 : i32
      %add3A_67 = arith.addi %add3A_66, %add3A_55 : i32
      %get3A_68 = arith.index_cast %add3A_67 : i32 to index
      %get3A_69 = arith.constant 0 : index
      %get3A_70 = tpu.vector_load %arg6[%get3A_68, %get3A_69] {strides = array<i32>} : memref<640x128xf32, #tpu.memory_space<vmem>>, vector<1x16xf32>,
      %get3A_71 = vector.shape_cast %get3A_70 : vector<1x16xf32> to vector<16xf32>
      %add3A_72 = arith.addf %add3A_65, %get3A_71 : vector<16xf32>
      %add3A_73 = arith.constant 96 : i32
      %add3A_74 = arith.addi %add3A_73, %add3A_55 : i32
      %get3A_75 = arith.index_cast %add3A_74 : i32 to index
      %get3A_76 = arith.constant 0 : index
      %get3A_77 = tpu.vector_load %arg6[%get3A_75, %get3A_76] {strides = array<i32>} : memref<640x128xf32, #tpu.memory_space<vmem>>, vector<1x16xf32>,
      %get3A_78 = vector.shape_cast %get3A_77 : vector<1x16xf32> to vector<16xf32>
      %add3A_79 = arith.addf %add3A_72, %get3A_78 : vector<16xf32>
      %add3A_80 = arith.constant 128 : i32
      %add3A_81 = arith.addi %add3A_80, %add3A_55 : i32
      %get3A_82 = arith.index_cast %add3A_81 : i32 to index
      %get3A_83 = arith.constant 0 : index
      %get3A_84 = tpu.vector_load %arg6[%get3A_82, %get3A_83] {strides = array<i32>} : memref<640x128xf32, #tpu.memory_space<vmem>>, vector<1x16xf32>,
      %get3A_85 = vector.shape_cast %get3A_84 : vector<1x16xf32> to vector<16xf32>
      %add3A_86 = arith.addf %add3A_79, %get3A_85 : vector<16xf32>
      %add3A_87 = arith.constant 160 : i32
      %add3A_88 = arith.addi %add3A_87, %add3A_55 : i32
      %get3A_89 = arith.index_cast %add3A_88 : i32 to index
      %get3A_90 = arith.constant 0 : index
      %get3A_91 = tpu.vector_load %arg6[%get3A_89, %get3A_90] {strides = array<i32>} : memref<640x128xf32, #tpu.memory_space<vmem>>, vector<1x16xf32>,
      %get3A_92 = vector.shape_cast %get3A_91 : vector<1x16xf32> to vector<16xf32>
      %add3A_93 = arith.addf %add3A_86, %get3A_92 : vector<16xf32>
      %add3A_94 = arith.constant 192 : i32
      %add3A_95 = arith.addi %add3A_94, %add3A_55 : i32
      %get3A_96 = arith.index_cast %add3A_95 : i32 to index
      %get3A_97 = arith.constant 0 : index
      %get3A_98 = tpu.vector_load %arg6[%get3A_96, %get3A_97] {strides = array<i32>} : memref<640x128xf32, #tpu.memory_space<vmem>>, vector<1x16xf32>,
      %get3A_99 = vector.shape_cast %get3A_98 : vector<1x16xf32> to vector<16xf32>
      %add3A_100 = arith.addf %add3A_93, %get3A_99 : vector<16xf32>
      %add3A_101 = arith.constant 224 : i32
      %add3A_102 = arith.addi %add3A_101, %add3A_55 : i32
      %get3A_103 = arith.index_cast %add3A_102 : i32 to index
      %get3A_104 = arith.constant 0 : index
      %get3A_105 = tpu.vector_load %arg6[%get3A_103, %get3A_104] {strides = array<i32>} : memref<640x128xf32, #tpu.memory_space<vmem>>, vector<1x16xf32>,
      %get3A_106 = vector.shape_cast %get3A_105 : vector<1x16xf32> to vector<16xf32>
      %add3A_107 = arith.addf %add3A_100, %get3A_106 : vector<16xf32>
      %add3A_108 = arith.constant 256 : i32
      %add3A_109 = arith.addi %add3A_108, %add3A_55 : i32
      %get3A_110 = arith.index_cast %add3A_109 : i32 to index
      %get3A_111 = arith.constant 0 : index
      %get3A_112 = tpu.vector_load %arg6[%get3A_110, %get3A_111] {strides = array<i32>} : memref<640x128xf32, #tpu.memory_space<vmem>>, vector<1x16xf32>,
      %get3A_113 = vector.shape_cast %get3A_112 : vector<1x16xf32> to vector<16xf32>
      %add3A_114 = arith.addf %add3A_107, %get3A_113 : vector<16xf32>
      %add3A_115 = arith.constant 288 : i32
      %add3A_116 = arith.addi %add3A_115, %add3A_55 : i32
      %get3A_117 = arith.index_cast %add3A_116 : i32 to index
      %get3A_118 = arith.constant 0 : index
      %get3A_119 = tpu.vector_load %arg6[%get3A_117, %get3A_118] {strides = array<i32>} : memref<640x128xf32, #tpu.memory_space<vmem>>, vector<1x16xf32>,
      %get3A_120 = vector.shape_cast %get3A_119 : vector<1x16xf32> to vector<16xf32>
      %add3A_121 = arith.addf %add3A_114, %get3A_120 : vector<16xf32>
      %add3A_122 = arith.constant 320 : i32
      %add3A_123 = arith.addi %add3A_122, %add3A_55 : i32
      %get3A_124 = arith.index_cast %add3A_123 : i32 to index
      %get3A_125 = arith.constant 0 : index
      %get3A_126 = tpu.vector_load %arg6[%get3A_124, %get3A_125] {strides = array<i32>} : memref<640x128xf32, #tpu.memory_space<vmem>>, vector<1x16xf32>,
      %get3A_127 = vector.shape_cast %get3A_126 : vector<1x16xf32> to vector<16xf32>
      %add3A_128 = arith.addf %add3A_121, %get3A_127 : vector<16xf32>
      %add3A_129 = arith.constant 352 : i32
      %add3A_130 = arith.addi %add3A_129, %add3A_55 : i32
      %get3A_131 = arith.index_cast %add3A_130 : i32 to index
      %get3A_132 = arith.constant 0 : index
      %get3A_133 = tpu.vector_load %arg6[%get3A_131, %get3A_132] {strides = array<i32>} : memref<640x128xf32, #tpu.memory_space<vmem>>, vector<1x16xf32>,
      %get3A_134 = vector.shape_cast %get3A_133 : vector<1x16xf32> to vector<16xf32>
      %add3A_135 = arith.addf %add3A_128, %get3A_134 : vector<16xf32>
      %add3A_136 = arith.constant 384 : i32
      %add3A_137 = arith.addi %add3A_136, %add3A_55 : i32
      %get3A_138 = arith.index_cast %add3A_137 : i32 to index
      %get3A_139 = arith.constant 0 : index
      %get3A_140 = tpu.vector_load %arg6[%get3A_138, %get3A_139] {strides = array<i32>} : memref<640x128xf32, #tpu.memory_space<vmem>>, vector<1x16xf32>,
      %get3A_141 = vector.shape_cast %get3A_140 : vector<1x16xf32> to vector<16xf32>
      %add3A_142 = arith.addf %add3A_135, %get3A_141 : vector<16xf32>
      %add3A_143 = arith.constant 416 : i32
      %add3A_144 = arith.addi %add3A_143, %add3A_55 : i32
      %get3A_145 = arith.index_cast %add3A_144 : i32 to index
      %get3A_146 = arith.constant 0 : index
      %get3A_147 = tpu.vector_load %arg6[%get3A_145, %get3A_146] {strides = array<i32>} : memref<640x128xf32, #tpu.memory_space<vmem>>, vector<1x16xf32>,
      %get3A_148 = vector.shape_cast %get3A_147 : vector<1x16xf32> to vector<16xf32>
      %add3A_149 = arith.addf %add3A_142, %get3A_148 : vector<16xf32>
      %add3A_150 = arith.constant 448 : i32
      %add3A_151 = arith.addi %add3A_150, %add3A_55 : i32
      %get3A_152 = arith.index_cast %add3A_151 : i32 to index
      %get3A_153 = arith.constant 0 : index
      %get3A_154 = tpu.vector_load %arg6[%get3A_152, %get3A_153] {strides = array<i32>} : memref<640x128xf32, #tpu.memory_space<vmem>>, vector<1x16xf32>,
      %get3A_155 = vector.shape_cast %get3A_154 : vector<1x16xf32> to vector<16xf32>
      %add3A_156 = arith.addf %add3A_149, %get3A_155 : vector<16xf32>
      %add3A_157 = arith.constant 480 : i32
      %add3A_158 = arith.addi %add3A_157, %add3A_55 : i32
      %get3A_159 = arith.index_cast %add3A_158 : i32 to index
      %get3A_160 = arith.constant 0 : index
      %get3A_161 = tpu.vector_load %arg6[%get3A_159, %get3A_160] {strides = array<i32>} : memref<640x128xf32, #tpu.memory_space<vmem>>, vector<1x16xf32>,
      %get3A_162 = vector.shape_cast %get3A_161 : vector<1x16xf32> to vector<16xf32>
      %add3A_163 = arith.addf %add3A_156, %get3A_162 : vector<16xf32>
      %add3A_164 = arith.constant 512 : i32
      %add3A_165 = arith.addi %add3A_164, %add3A_55 : i32
      %get3A_166 = arith.index_cast %add3A_165 : i32 to index
      %get3A_167 = arith.constant 0 : index
      %get3A_168 = tpu.vector_load %arg6[%get3A_166, %get3A_167] {strides = array<i32>} : memref<640x128xf32, #tpu.memory_space<vmem>>, vector<1x16xf32>,
      %get3A_169 = vector.shape_cast %get3A_168 : vector<1x16xf32> to vector<16xf32>
      %add3A_170 = arith.addf %add3A_163, %get3A_169 : vector<16xf32>
      %add3A_171 = arith.constant 544 : i32
      %add3A_172 = arith.addi %add3A_171, %add3A_55 : i32
      %get3A_173 = arith.index_cast %add3A_172 : i32 to index
      %get3A_174 = arith.constant 0 : index
      %get3A_175 = tpu.vector_load %arg6[%get3A_173, %get3A_174] {strides = array<i32>} : memref<640x128xf32, #tpu.memory_space<vmem>>, vector<1x16xf32>,
      %get3A_176 = vector.shape_cast %get3A_175 : vector<1x16xf32> to vector<16xf32>
      %add3A_177 = arith.addf %add3A_170, %get3A_176 : vector<16xf32>
      %add3A_178 = arith.constant 576 : i32
      %add3A_179 = arith.addi %add3A_178, %add3A_55 : i32
      %get3A_180 = arith.index_cast %add3A_179 : i32 to index
      %get3A_181 = arith.constant 0 : index
      %get3A_182 = tpu.vector_load %arg6[%get3A_180, %get3A_181] {strides = array<i32>} : memref<640x128xf32, #tpu.memory_space<vmem>>, vector<1x16xf32>,
      %get3A_183 = vector.shape_cast %get3A_182 : vector<1x16xf32> to vector<16xf32>
      %add3A_184 = arith.addf %add3A_177, %get3A_183 : vector<16xf32>
      %add3A_185 = arith.constant 608 : i32
      %add3A_186 = arith.addi %add3A_185, %add3A_55 : i32
      %get3A_187 = arith.index_cast %add3A_186 : i32 to index
      %get3A_188 = arith.constant 0 : index
      %get3A_189 = tpu.vector_load %arg6[%get3A_187, %get3A_188] {strides = array<i32>} : memref<640x128xf32, #tpu.memory_space<vmem>>, vector<1x16xf32>,
      %get3A_190 = vector.shape_cast %get3A_189 : vector<1x16xf32> to vector<16xf32>
      %add3A_191 = arith.addf %add3A_184, %get3A_190 : vector<16xf32>
      %swap3A = arith.index_cast %add3A_55 : i32 to index
      %swap3A_192 = arith.constant 0 : index
      %swap3A_193 = tpu.vector_load %arg7[%swap3A, %swap3A_192] {strides = array<i32>} : memref<32x128xf32, #tpu.memory_space<vmem>>, vector<1x16xf32>,
      %swap3A_194 = vector.shape_cast %swap3A_193 : vector<1x16xf32> to vector<16xf32>
      %swap3A_195 = vector.shape_cast %add3A_191 : vector<16xf32> to vector<1x16xf32>
      tpu.vector_store %arg7[%swap3A, %swap3A_192], %swap3A_195 {strides = array<i32>} : memref<32x128xf32, #tpu.memory_space<vmem>>, vector<1x16xf32>,
      %get3A_196 = arith.index_cast %add3A_55 : i32 to index
      %get3A_197 = arith.constant 16 : index
      %get3A_198 = tpu.vector_load %arg6[%get3A_196, %get3A_197] {strides = array<i32>} : memref<640x128xf32, #tpu.memory_space<vmem>>, vector<1x16xf32>,
      %get3A_199 = vector.shape_cast %get3A_198 : vector<1x16xf32> to vector<16xf32>
      %add3A_200 = arith.constant 32 : i32
      %add3A_201 = arith.addi %add3A_200, %add3A_55 : i32
      %get3A_202 = arith.index_cast %add3A_201 : i32 to index
      %get3A_203 = arith.constant 16 : index
      %get3A_204 = tpu.vector_load %arg6[%get3A_202, %get3A_203] {strides = array<i32>} : memref<640x128xf32, #tpu.memory_space<vmem>>, vector<1x16xf32>,
      %get3A_205 = vector.shape_cast %get3A_204 : vector<1x16xf32> to vector<16xf32>
      %add3A_206 = arith.addf %get3A_199, %get3A_205 : vector<16xf32>
      %add3A_207 = arith.constant 64 : i32
      %add3A_208 = arith.addi %add3A_207, %add3A_55 : i32
      %get3A_209 = arith.index_cast %add3A_208 : i32 to index
      %get3A_210 = arith.constant 16 : index
      %get3A_211 = tpu.vector_load %arg6[%get3A_209, %get3A_210] {strides = array<i32>} : memref<640x128xf32, #tpu.memory_space<vmem>>, vector<1x16xf32>,
      %get3A_212 = vector.shape_cast %get3A_211 : vector<1x16xf32> to vector<16xf32>
      %add3A_213 = arith.addf %add3A_206, %get3A_212 : vector<16xf32>
      %add3A_214 = arith.constant 96 : i32
      %add3A_215 = arith.addi %add3A_214, %add3A_55 : i32
      %get3A_216 = arith.index_cast %add3A_215 : i32 to index
      %get3A_217 = arith.constant 16 : index
      %get3A_218 = tpu.vector_load %arg6[%get3A_216, %get3A_217] {strides = array<i32>} : memref<640x128xf32, #tpu.memory_space<vmem>>, vector<1x16xf32>,
      %get3A_219 = vector.shape_cast %get3A_218 : vector<1x16xf32> to vector<16xf32>
      %add3A_220 = arith.addf %add3A_213, %get3A_219 : vector<16xf32>
      %add3A_221 = arith.constant 128 : i32
      %add3A_222 = arith.addi %add3A_221, %add3A_55 : i32
      %get3A_223 = arith.index_cast %add3A_222 : i32 to index
      %get3A_224 = arith.constant 16 : index
      %get3A_225 = tpu.vector_load %arg6[%get3A_223, %get3A_224] {strides = array<i32>} : memref<640x128xf32, #tpu.memory_space<vmem>>, vector<1x16xf32>,
      %get3A_226 = vector.shape_cast %get3A_225 : vector<1x16xf32> to vector<16xf32>
      %add3A_227 = arith.addf %add3A_220, %get3A_226 : vector<16xf32>
      %add3A_228 = arith.constant 160 : i32
      %add3A_229 = arith.addi %add3A_228, %add3A_55 : i32
      %get3A_230 = arith.index_cast %add3A_229 : i32 to index
      %get3A_231 = arith.constant 16 : index
      %get3A_232 = tpu.vector_load %arg6[%get3A_230, %get3A_231] {strides = array<i32>} : memref<640x128xf32, #tpu.memory_space<vmem>>, vector<1x16xf32>,
      %get3A_233 = vector.shape_cast %get3A_232 : vector<1x16xf32> to vector<16xf32>
      %add3A_234 = arith.addf %add3A_227, %get3A_233 : vector<16xf32>
      %add3A_235 = arith.constant 192 : i32
      %add3A_236 = arith.addi %add3A_235, %add3A_55 : i32
      %get3A_237 = arith.index_cast %add3A_236 : i32 to index
      %get3A_238 = arith.constant 16 : index
      %get3A_239 = tpu.vector_load %arg6[%get3A_237, %get3A_238] {strides = array<i32>} : memref<640x128xf32, #tpu.memory_space<vmem>>, vector<1x16xf32>,
      %get3A_240 = vector.shape_cast %get3A_239 : vector<1x16xf32> to vector<16xf32>
      %add3A_241 = arith.addf %add3A_234, %get3A_240 : vector<16xf32>
      %add3A_242 = arith.constant 224 : i32
      %add3A_243 = arith.addi %add3A_242, %add3A_55 : i32
      %get3A_244 = arith.index_cast %add3A_243 : i32 to index
      %get3A_245 = arith.constant 16 : index
      %get3A_246 = tpu.vector_load %arg6[%get3A_244, %get3A_245] {strides = array<i32>} : memref<640x128xf32, #tpu.memory_space<vmem>>, vector<1x16xf32>,
      %get3A_247 = vector.shape_cast %get3A_246 : vector<1x16xf32> to vector<16xf32>
      %add3A_248 = arith.addf %add3A_241, %get3A_247 : vector<16xf32>
      %add3A_249 = arith.constant 256 : i32
      %add3A_250 = arith.addi %add3A_249, %add3A_55 : i32
      %get3A_251 = arith.index_cast %add3A_250 : i32 to index
      %get3A_252 = arith.constant 16 : index
      %get3A_253 = tpu.vector_load %arg6[%get3A_251, %get3A_252] {strides = array<i32>} : memref<640x128xf32, #tpu.memory_space<vmem>>, vector<1x16xf32>,
      %get3A_254 = vector.shape_cast %get3A_253 : vector<1x16xf32> to vector<16xf32>
      %add3A_255 = arith.addf %add3A_248, %get3A_254 : vector<16xf32>
      %add3A_256 = arith.constant 288 : i32
      %add3A_257 = arith.addi %add3A_256, %add3A_55 : i32
      %get3A_258 = arith.index_cast %add3A_257 : i32 to index
      %get3A_259 = arith.constant 16 : index
      %get3A_260 = tpu.vector_load %arg6[%get3A_258, %get3A_259] {strides = array<i32>} : memref<640x128xf32, #tpu.memory_space<vmem>>, vector<1x16xf32>,
      %get3A_261 = vector.shape_cast %get3A_260 : vector<1x16xf32> to vector<16xf32>
      %add3A_262 = arith.addf %add3A_255, %get3A_261 : vector<16xf32>
      %add3A_263 = arith.constant 320 : i32
      %add3A_264 = arith.addi %add3A_263, %add3A_55 : i32
      %get3A_265 = arith.index_cast %add3A_264 : i32 to index
      %get3A_266 = arith.constant 16 : index
      %get3A_267 = tpu.vector_load %arg6[%get3A_265, %get3A_266] {strides = array<i32>} : memref<640x128xf32, #tpu.memory_space<vmem>>, vector<1x16xf32>,
      %get3A_268 = vector.shape_cast %get3A_267 : vector<1x16xf32> to vector<16xf32>
      %add3A_269 = arith.addf %add3A_262, %get3A_268 : vector<16xf32>
      %add3A_270 = arith.constant 352 : i32
      %add3A_271 = arith.addi %add3A_270, %add3A_55 : i32
      %get3A_272 = arith.index_cast %add3A_271 : i32 to index
      %get3A_273 = arith.constant 16 : index
      %get3A_274 = tpu.vector_load %arg6[%get3A_272, %get3A_273] {strides = array<i32>} : memref<640x128xf32, #tpu.memory_space<vmem>>, vector<1x16xf32>,
      %get3A_275 = vector.shape_cast %get3A_274 : vector<1x16xf32> to vector<16xf32>
      %add3A_276 = arith.addf %add3A_269, %get3A_275 : vector<16xf32>
      %add3A_277 = arith.constant 384 : i32
      %add3A_278 = arith.addi %add3A_277, %add3A_55 : i32
      %get3A_279 = arith.index_cast %add3A_278 : i32 to index
      %get3A_280 = arith.constant 16 : index
      %get3A_281 = tpu.vector_load %arg6[%get3A_279, %get3A_280] {strides = array<i32>} : memref<640x128xf32, #tpu.memory_space<vmem>>, vector<1x16xf32>,
      %get3A_282 = vector.shape_cast %get3A_281 : vector<1x16xf32> to vector<16xf32>
      %add3A_283 = arith.addf %add3A_276, %get3A_282 : vector<16xf32>
      %add3A_284 = arith.constant 416 : i32
      %add3A_285 = arith.addi %add3A_284, %add3A_55 : i32
      %get3A_286 = arith.index_cast %add3A_285 : i32 to index
      %get3A_287 = arith.constant 16 : index
      %get3A_288 = tpu.vector_load %arg6[%get3A_286, %get3A_287] {strides = array<i32>} : memref<640x128xf32, #tpu.memory_space<vmem>>, vector<1x16xf32>,
      %get3A_289 = vector.shape_cast %get3A_288 : vector<1x16xf32> to vector<16xf32>
      %add3A_290 = arith.addf %add3A_283, %get3A_289 : vector<16xf32>
      %add3A_291 = arith.constant 448 : i32
      %add3A_292 = arith.addi %add3A_291, %add3A_55 : i32
      %get3A_293 = arith.index_cast %add3A_292 : i32 to index
      %get3A_294 = arith.constant 16 : index
      %get3A_295 = tpu.vector_load %arg6[%get3A_293, %get3A_294] {strides = array<i32>} : memref<640x128xf32, #tpu.memory_space<vmem>>, vector<1x16xf32>,
      %get3A_296 = vector.shape_cast %get3A_295 : vector<1x16xf32> to vector<16xf32>
      %add3A_297 = arith.addf %add3A_290, %get3A_296 : vector<16xf32>
      %add3A_298 = arith.constant 480 : i32
      %add3A_299 = arith.addi %add3A_298, %add3A_55 : i32
      %get3A_300 = arith.index_cast %add3A_299 : i32 to index
      %get3A_301 = arith.constant 16 : index
      %get3A_302 = tpu.vector_load %arg6[%get3A_300, %get3A_301] {strides = array<i32>} : memref<640x128xf32, #tpu.memory_space<vmem>>, vector<1x16xf32>,
      %get3A_303 = vector.shape_cast %get3A_302 : vector<1x16xf32> to vector<16xf32>
      %add3A_304 = arith.addf %add3A_297, %get3A_303 : vector<16xf32>
      %add3A_305 = arith.constant 512 : i32
      %add3A_306 = arith.addi %add3A_305, %add3A_55 : i32
      %get3A_307 = arith.index_cast %add3A_306 : i32 to index
      %get3A_308 = arith.constant 16 : index
      %get3A_309 = tpu.vector_load %arg6[%get3A_307, %get3A_308] {strides = array<i32>} : memref<640x128xf32, #tpu.memory_space<vmem>>, vector<1x16xf32>,
      %get3A_310 = vector.shape_cast %get3A_309 : vector<1x16xf32> to vector<16xf32>
      %add3A_311 = arith.addf %add3A_304, %get3A_310 : vector<16xf32>
      %add3A_312 = arith.constant 544 : i32
      %add3A_313 = arith.addi %add3A_312, %add3A_55 : i32
      %get3A_314 = arith.index_cast %add3A_313 : i32 to index
      %get3A_315 = arith.constant 16 : index
      %get3A_316 = tpu.vector_load %arg6[%get3A_314, %get3A_315] {strides = array<i32>} : memref<640x128xf32, #tpu.memory_space<vmem>>, vector<1x16xf32>,
      %get3A_317 = vector.shape_cast %get3A_316 : vector<1x16xf32> to vector<16xf32>
      %add3A_318 = arith.addf %add3A_311, %get3A_317 : vector<16xf32>
      %add3A_319 = arith.constant 576 : i32
      %add3A_320 = arith.addi %add3A_319, %add3A_55 : i32
      %get3A_321 = arith.index_cast %add3A_320 : i32 to index
      %get3A_322 = arith.constant 16 : index
      %get3A_323 = tpu.vector_load %arg6[%get3A_321, %get3A_322] {strides = array<i32>} : memref<640x128xf32, #tpu.memory_space<vmem>>, vector<1x16xf32>,
      %get3A_324 = vector.shape_cast %get3A_323 : vector<1x16xf32> to vector<16xf32>
      %add3A_325 = arith.addf %add3A_318, %get3A_324 : vector<16xf32>
      %add3A_326 = arith.constant 608 : i32
      %add3A_327 = arith.addi %add3A_326, %add3A_55 : i32
      %get3A_328 = arith.index_cast %add3A_327 : i32 to index
      %get3A_329 = arith.constant 16 : index
      %get3A_330 = tpu.vector_load %arg6[%get3A_328, %get3A_329] {strides = array<i32>} : memref<640x128xf32, #tpu.memory_space<vmem>>, vector<1x16xf32>,
      %get3A_331 = vector.shape_cast %get3A_330 : vector<1x16xf32> to vector<16xf32>
      %add3A_332 = arith.addf %add3A_325, %get3A_331 : vector<16xf32>
      %swap3A_333 = arith.index_cast %add3A_55 : i32 to index
      %swap3A_334 = arith.constant 16 : index
      %swap3A_335 = tpu.vector_load %arg7[%swap3A_333, %swap3A_334] {strides = array<i32>} : memref<32x128xf32, #tpu.memory_space<vmem>>, vector<1x16xf32>,
      %swap3A_336 = vector.shape_cast %swap3A_335 : vector<1x16xf32> to vector<16xf32>
      %swap3A_337 = vector.shape_cast %add3A_332 : vector<16xf32> to vector<1x16xf32>
      tpu.vector_store %arg7[%swap3A_333, %swap3A_334], %swap3A_337 {strides = array<i32>} : memref<32x128xf32, #tpu.memory_space<vmem>>, vector<1x16xf32>,
      %get3A_338 = arith.index_cast %add3A_55 : i32 to index
      %get3A_339 = arith.constant 32 : index
      %get3A_340 = tpu.vector_load %arg6[%get3A_338, %get3A_339] {strides = array<i32>} : memref<640x128xf32, #tpu.memory_space<vmem>>, vector<1x16xf32>,
      %get3A_341 = vector.shape_cast %get3A_340 : vector<1x16xf32> to vector<16xf32>
      %add3A_342 = arith.constant 32 : i32
      %add3A_343 = arith.addi %add3A_342, %add3A_55 : i32
      %get3A_344 = arith.index_cast %add3A_343 : i32 to index
      %get3A_345 = arith.constant 32 : index
      %get3A_346 = tpu.vector_load %arg6[%get3A_344, %get3A_345] {strides = array<i32>} : memref<640x128xf32, #tpu.memory_space<vmem>>, vector<1x16xf32>,
      %get3A_347 = vector.shape_cast %get3A_346 : vector<1x16xf32> to vector<16xf32>
      %add3A_348 = arith.addf %get3A_341, %get3A_347 : vector<16xf32>
      %add3A_349 = arith.constant 64 : i32
      %add3A_350 = arith.addi %add3A_349, %add3A_55 : i32
      %get3A_351 = arith.index_cast %add3A_350 : i32 to index
      %get3A_352 = arith.constant 32 : index
      %get3A_353 = tpu.vector_load %arg6[%get3A_351, %get3A_352] {strides = array<i32>} : memref<640x128xf32, #tpu.memory_space<vmem>>, vector<1x16xf32>,
      %get3A_354 = vector.shape_cast %get3A_353 : vector<1x16xf32> to vector<16xf32>
      %add3A_355 = arith.addf %add3A_348, %get3A_354 : vector<16xf32>
      %add3A_356 = arith.constant 96 : i32
      %add3A_357 = arith.addi %add3A_356, %add3A_55 : i32
      %get3A_358 = arith.index_cast %add3A_357 : i32 to index
      %get3A_359 = arith.constant 32 : index
      %get3A_360 = tpu.vector_load %arg6[%get3A_358, %get3A_359] {strides = array<i32>} : memref<640x128xf32, #tpu.memory_space<vmem>>, vector<1x16xf32>,
      %get3A_361 = vector.shape_cast %get3A_360 : vector<1x16xf32> to vector<16xf32>
      %add3A_362 = arith.addf %add3A_355, %get3A_361 : vector<16xf32>
      %add3A_363 = arith.constant 128 : i32
      %add3A_364 = arith.addi %add3A_363, %add3A_55 : i32
      %get3A_365 = arith.index_cast %add3A_364 : i32 to index
      %get3A_366 = arith.constant 32 : index
      %get3A_367 = tpu.vector_load %arg6[%get3A_365, %get3A_366] {strides = array<i32>} : memref<640x128xf32, #tpu.memory_space<vmem>>, vector<1x16xf32>,
      %get3A_368 = vector.shape_cast %get3A_367 : vector<1x16xf32> to vector<16xf32>
      %add3A_369 = arith.addf %add3A_362, %get3A_368 : vector<16xf32>
      %add3A_370 = arith.constant 160 : i32
      %add3A_371 = arith.addi %add3A_370, %add3A_55 : i32
      %get3A_372 = arith.index_cast %add3A_371 : i32 to index
      %get3A_373 = arith.constant 32 : index
      %get3A_374 = tpu.vector_load %arg6[%get3A_372, %get3A_373] {strides = array<i32>} : memref<640x128xf32, #tpu.memory_space<vmem>>, vector<1x16xf32>,
      %get3A_375 = vector.shape_cast %get3A_374 : vector<1x16xf32> to vector<16xf32>
      %add3A_376 = arith.addf %add3A_369, %get3A_375 : vector<16xf32>
      %add3A_377 = arith.constant 192 : i32
      %add3A_378 = arith.addi %add3A_377, %add3A_55 : i32
      %get3A_379 = arith.index_cast %add3A_378 : i32 to index
      %get3A_380 = arith.constant 32 : index
      %get3A_381 = tpu.vector_load %arg6[%get3A_379, %get3A_380] {strides = array<i32>} : memref<640x128xf32, #tpu.memory_space<vmem>>, vector<1x16xf32>,
      %get3A_382 = vector.shape_cast %get3A_381 : vector<1x16xf32> to vector<16xf32>
      %add3A_383 = arith.addf %add3A_376, %get3A_382 : vector<16xf32>
      %add3A_384 = arith.constant 224 : i32
      %add3A_385 = arith.addi %add3A_384, %add3A_55 : i32
      %get3A_386 = arith.index_cast %add3A_385 : i32 to index
      %get3A_387 = arith.constant 32 : index
      %get3A_388 = tpu.vector_load %arg6[%get3A_386, %get3A_387] {strides = array<i32>} : memref<640x128xf32, #tpu.memory_space<vmem>>, vector<1x16xf32>,
      %get3A_389 = vector.shape_cast %get3A_388 : vector<1x16xf32> to vector<16xf32>
      %add3A_390 = arith.addf %add3A_383, %get3A_389 : vector<16xf32>
      %add3A_391 = arith.constant 256 : i32
      %add3A_392 = arith.addi %add3A_391, %add3A_55 : i32
      %get3A_393 = arith.index_cast %add3A_392 : i32 to index
      %get3A_394 = arith.constant 32 : index
      %get3A_395 = tpu.vector_load %arg6[%get3A_393, %get3A_394] {strides = array<i32>} : memref<640x128xf32, #tpu.memory_space<vmem>>, vector<1x16xf32>,
      %get3A_396 = vector.shape_cast %get3A_395 : vector<1x16xf32> to vector<16xf32>
      %add3A_397 = arith.addf %add3A_390, %get3A_396 : vector<16xf32>
      %add3A_398 = arith.constant 288 : i32
      %add3A_399 = arith.addi %add3A_398, %add3A_55 : i32
      %get3A_400 = arith.index_cast %add3A_399 : i32 to index
      %get3A_401 = arith.constant 32 : index
      %get3A_402 = tpu.vector_load %arg6[%get3A_400, %get3A_401] {strides = array<i32>} : memref<640x128xf32, #tpu.memory_space<vmem>>, vector<1x16xf32>,
      %get3A_403 = vector.shape_cast %get3A_402 : vector<1x16xf32> to vector<16xf32>
      %add3A_404 = arith.addf %add3A_397, %get3A_403 : vector<16xf32>
      %add3A_405 = arith.constant 320 : i32
      %add3A_406 = arith.addi %add3A_405, %add3A_55 : i32
      %get3A_407 = arith.index_cast %add3A_406 : i32 to index
      %get3A_408 = arith.constant 32 : index
      %get3A_409 = tpu.vector_load %arg6[%get3A_407, %get3A_408] {strides = array<i32>} : memref<640x128xf32, #tpu.memory_space<vmem>>, vector<1x16xf32>,
      %get3A_410 = vector.shape_cast %get3A_409 : vector<1x16xf32> to vector<16xf32>
      %add3A_411 = arith.addf %add3A_404, %get3A_410 : vector<16xf32>
      %add3A_412 = arith.constant 352 : i32
      %add3A_413 = arith.addi %add3A_412, %add3A_55 : i32
      %get3A_414 = arith.index_cast %add3A_413 : i32 to index
      %get3A_415 = arith.constant 32 : index
      %get3A_416 = tpu.vector_load %arg6[%get3A_414, %get3A_415] {strides = array<i32>} : memref<640x128xf32, #tpu.memory_space<vmem>>, vector<1x16xf32>,
      %get3A_417 = vector.shape_cast %get3A_416 : vector<1x16xf32> to vector<16xf32>
      %add3A_418 = arith.addf %add3A_411, %get3A_417 : vector<16xf32>
      %add3A_419 = arith.constant 384 : i32
      %add3A_420 = arith.addi %add3A_419, %add3A_55 : i32
      %get3A_421 = arith.index_cast %add3A_420 : i32 to index
      %get3A_422 = arith.constant 32 : index
      %get3A_423 = tpu.vector_load %arg6[%get3A_421, %get3A_422] {strides = array<i32>} : memref<640x128xf32, #tpu.memory_space<vmem>>, vector<1x16xf32>,
      %get3A_424 = vector.shape_cast %get3A_423 : vector<1x16xf32> to vector<16xf32>
      %add3A_425 = arith.addf %add3A_418, %get3A_424 : vector<16xf32>
      %add3A_426 = arith.constant 416 : i32
      %add3A_427 = arith.addi %add3A_426, %add3A_55 : i32
      %get3A_428 = arith.index_cast %add3A_427 : i32 to index
      %get3A_429 = arith.constant 32 : index
      %get3A_430 = tpu.vector_load %arg6[%get3A_428, %get3A_429] {strides = array<i32>} : memref<640x128xf32, #tpu.memory_space<vmem>>, vector<1x16xf32>,
      %get3A_431 = vector.shape_cast %get3A_430 : vector<1x16xf32> to vector<16xf32>
      %add3A_432 = arith.addf %add3A_425, %get3A_431 : vector<16xf32>
      %add3A_433 = arith.constant 448 : i32
      %add3A_434 = arith.addi %add3A_433, %add3A_55 : i32
      %get3A_435 = arith.index_cast %add3A_434 : i32 to index
      %get3A_436 = arith.constant 32 : index
      %get3A_437 = tpu.vector_load %arg6[%get3A_435, %get3A_436] {strides = array<i32>} : memref<640x128xf32, #tpu.memory_space<vmem>>, vector<1x16xf32>,
      %get3A_438 = vector.shape_cast %get3A_437 : vector<1x16xf32> to vector<16xf32>
      %add3A_439 = arith.addf %add3A_432, %get3A_438 : vector<16xf32>
      %add3A_440 = arith.constant 480 : i32
      %add3A_441 = arith.addi %add3A_440, %add3A_55 : i32
      %get3A_442 = arith.index_cast %add3A_441 : i32 to index
      %get3A_443 = arith.constant 32 : index
      %get3A_444 = tpu.vector_load %arg6[%get3A_442, %get3A_443] {strides = array<i32>} : memref<640x128xf32, #tpu.memory_space<vmem>>, vector<1x16xf32>,
      %get3A_445 = vector.shape_cast %get3A_444 : vector<1x16xf32> to vector<16xf32>
      %add3A_446 = arith.addf %add3A_439, %get3A_445 : vector<16xf32>
      %add3A_447 = arith.constant 512 : i32
      %add3A_448 = arith.addi %add3A_447, %add3A_55 : i32
      %get3A_449 = arith.index_cast %add3A_448 : i32 to index
      %get3A_450 = arith.constant 32 : index
      %get3A_451 = tpu.vector_load %arg6[%get3A_449, %get3A_450] {strides = array<i32>} : memref<640x128xf32, #tpu.memory_space<vmem>>, vector<1x16xf32>,
      %get3A_452 = vector.shape_cast %get3A_451 : vector<1x16xf32> to vector<16xf32>
      %add3A_453 = arith.addf %add3A_446, %get3A_452 : vector<16xf32>
      %add3A_454 = arith.constant 544 : i32
      %add3A_455 = arith.addi %add3A_454, %add3A_55 : i32
      %get3A_456 = arith.index_cast %add3A_455 : i32 to index
      %get3A_457 = arith.constant 32 : index
      %get3A_458 = tpu.vector_load %arg6[%get3A_456, %get3A_457] {strides = array<i32>} : memref<640x128xf32, #tpu.memory_space<vmem>>, vector<1x16xf32>,
      %get3A_459 = vector.shape_cast %get3A_458 : vector<1x16xf32> to vector<16xf32>
      %add3A_460 = arith.addf %add3A_453, %get3A_459 : vector<16xf32>
      %add3A_461 = arith.constant 576 : i32
      %add3A_462 = arith.addi %add3A_461, %add3A_55 : i32
      %get3A_463 = arith.index_cast %add3A_462 : i32 to index
      %get3A_464 = arith.constant 32 : index
      %get3A_465 = tpu.vector_load %arg6[%get3A_463, %get3A_464] {strides = array<i32>} : memref<640x128xf32, #tpu.memory_space<vmem>>, vector<1x16xf32>,
      %get3A_466 = vector.shape_cast %get3A_465 : vector<1x16xf32> to vector<16xf32>
      %add3A_467 = arith.addf %add3A_460, %get3A_466 : vector<16xf32>
      %add3A_468 = arith.constant 608 : i32
      %add3A_469 = arith.addi %add3A_468, %add3A_55 : i32
      %get3A_470 = arith.index_cast %add3A_469 : i32 to index
      %get3A_471 = arith.constant 32 : index
      %get3A_472 = tpu.vector_load %arg6[%get3A_470, %get3A_471] {strides = array<i32>} : memref<640x128xf32, #tpu.memory_space<vmem>>, vector<1x16xf32>,
      %get3A_473 = vector.shape_cast %get3A_472 : vector<1x16xf32> to vector<16xf32>
      %add3A_474 = arith.addf %add3A_467, %get3A_473 : vector<16xf32>
      %swap3A_475 = arith.index_cast %add3A_55 : i32 to index
      %swap3A_476 = arith.constant 32 : index
      %swap3A_477 = tpu.vector_load %arg7[%swap3A_475, %swap3A_476] {strides = array<i32>} : memref<32x128xf32, #tpu.memory_space<vmem>>, vector<1x16xf32>,
      %swap3A_478 = vector.shape_cast %swap3A_477 : vector<1x16xf32> to vector<16xf32>
      %swap3A_479 = vector.shape_cast %add3A_474 : vector<16xf32> to vector<1x16xf32>
      tpu.vector_store %arg7[%swap3A_475, %swap3A_476], %swap3A_479 {strides = array<i32>} : memref<32x128xf32, #tpu.memory_space<vmem>>, vector<1x16xf32>,
      %get3A_480 = arith.index_cast %add3A_55 : i32 to index
      %get3A_481 = arith.constant 48 : index
      %get3A_482 = tpu.vector_load %arg6[%get3A_480, %get3A_481] {strides = array<i32>} : memref<640x128xf32, #tpu.memory_space<vmem>>, vector<1x16xf32>,
      %get3A_483 = vector.shape_cast %get3A_482 : vector<1x16xf32> to vector<16xf32>
      %add3A_484 = arith.constant 32 : i32
      %add3A_485 = arith.addi %add3A_484, %add3A_55 : i32
      %get3A_486 = arith.index_cast %add3A_485 : i32 to index
      %get3A_487 = arith.constant 48 : index
      %get3A_488 = tpu.vector_load %arg6[%get3A_486, %get3A_487] {strides = array<i32>} : memref<640x128xf32, #tpu.memory_space<vmem>>, vector<1x16xf32>,
      %get3A_489 = vector.shape_cast %get3A_488 : vector<1x16xf32> to vector<16xf32>
      %add3A_490 = arith.addf %get3A_483, %get3A_489 : vector<16xf32>
      %add3A_491 = arith.constant 64 : i32
      %add3A_492 = arith.addi %add3A_491, %add3A_55 : i32
      %get3A_493 = arith.index_cast %add3A_492 : i32 to index
      %get3A_494 = arith.constant 48 : index
      %get3A_495 = tpu.vector_load %arg6[%get3A_493, %get3A_494] {strides = array<i32>} : memref<640x128xf32, #tpu.memory_space<vmem>>, vector<1x16xf32>,
      %get3A_496 = vector.shape_cast %get3A_495 : vector<1x16xf32> to vector<16xf32>
      %add3A_497 = arith.addf %add3A_490, %get3A_496 : vector<16xf32>
      %add3A_498 = arith.constant 96 : i32
      %add3A_499 = arith.addi %add3A_498, %add3A_55 : i32
      %get3A_500 = arith.index_cast %add3A_499 : i32 to index
      %get3A_501 = arith.constant 48 : index
      %get3A_502 = tpu.vector_load %arg6[%get3A_500, %get3A_501] {strides = array<i32>} : memref<640x128xf32, #tpu.memory_space<vmem>>, vector<1x16xf32>,
      %get3A_503 = vector.shape_cast %get3A_502 : vector<1x16xf32> to vector<16xf32>
      %add3A_504 = arith.addf %add3A_497, %get3A_503 : vector<16xf32>
      %add3A_505 = arith.constant 128 : i32
      %add3A_506 = arith.addi %add3A_505, %add3A_55 : i32
      %get3A_507 = arith.index_cast %add3A_506 : i32 to index
      %get3A_508 = arith.constant 48 : index
      %get3A_509 = tpu.vector_load %arg6[%get3A_507, %get3A_508] {strides = array<i32>} : memref<640x128xf32, #tpu.memory_space<vmem>>, vector<1x16xf32>,
      %get3A_510 = vector.shape_cast %get3A_509 : vector<1x16xf32> to vector<16xf32>
      %add3A_511 = arith.addf %add3A_504, %get3A_510 : vector<16xf32>
      %add3A_512 = arith.constant 160 : i32
      %add3A_513 = arith.addi %add3A_512, %add3A_55 : i32
      %get3A_514 = arith.index_cast %add3A_513 : i32 to index
      %get3A_515 = arith.constant 48 : index
      %get3A_516 = tpu.vector_load %arg6[%get3A_514, %get3A_515] {strides = array<i32>} : memref<640x128xf32, #tpu.memory_space<vmem>>, vector<1x16xf32>,
      %get3A_517 = vector.shape_cast %get3A_516 : vector<1x16xf32> to vector<16xf32>
      %add3A_518 = arith.addf %add3A_511, %get3A_517 : vector<16xf32>
      %add3A_519 = arith.constant 192 : i32
      %add3A_520 = arith.addi %add3A_519, %add3A_55 : i32
      %get3A_521 = arith.index_cast %add3A_520 : i32 to index
      %get3A_522 = arith.constant 48 : index
      %get3A_523 = tpu.vector_load %arg6[%get3A_521, %get3A_522] {strides = array<i32>} : memref<640x128xf32, #tpu.memory_space<vmem>>, vector<1x16xf32>,
      %get3A_524 = vector.shape_cast %get3A_523 : vector<1x16xf32> to vector<16xf32>
      %add3A_525 = arith.addf %add3A_518, %get3A_524 : vector<16xf32>
      %add3A_526 = arith.constant 224 : i32
      %add3A_527 = arith.addi %add3A_526, %add3A_55 : i32
      %get3A_528 = arith.index_cast %add3A_527 : i32 to index
      %get3A_529 = arith.constant 48 : index
      %get3A_530 = tpu.vector_load %arg6[%get3A_528, %get3A_529] {strides = array<i32>} : memref<640x128xf32, #tpu.memory_space<vmem>>, vector<1x16xf32>,
      %get3A_531 = vector.shape_cast %get3A_530 : vector<1x16xf32> to vector<16xf32>
      %add3A_532 = arith.addf %add3A_525, %get3A_531 : vector<16xf32>
      %add3A_533 = arith.constant 256 : i32
      %add3A_534 = arith.addi %add3A_533, %add3A_55 : i32
      %get3A_535 = arith.index_cast %add3A_534 : i32 to index
      %get3A_536 = arith.constant 48 : index
      %get3A_537 = tpu.vector_load %arg6[%get3A_535, %get3A_536] {strides = array<i32>} : memref<640x128xf32, #tpu.memory_space<vmem>>, vector<1x16xf32>,
      %get3A_538 = vector.shape_cast %get3A_537 : vector<1x16xf32> to vector<16xf32>
      %add3A_539 = arith.addf %add3A_532, %get3A_538 : vector<16xf32>
      %add3A_540 = arith.constant 288 : i32
      %add3A_541 = arith.addi %add3A_540, %add3A_55 : i32
      %get3A_542 = arith.index_cast %add3A_541 : i32 to index
      %get3A_543 = arith.constant 48 : index
      %get3A_544 = tpu.vector_load %arg6[%get3A_542, %get3A_543] {strides = array<i32>} : memref<640x128xf32, #tpu.memory_space<vmem>>, vector<1x16xf32>,
      %get3A_545 = vector.shape_cast %get3A_544 : vector<1x16xf32> to vector<16xf32>
      %add3A_546 = arith.addf %add3A_539, %get3A_545 : vector<16xf32>
      %add3A_547 = arith.constant 320 : i32
      %add3A_548 = arith.addi %add3A_547, %add3A_55 : i32
      %get3A_549 = arith.index_cast %add3A_548 : i32 to index
      %get3A_550 = arith.constant 48 : index
      %get3A_551 = tpu.vector_load %arg6[%get3A_549, %get3A_550] {strides = array<i32>} : memref<640x128xf32, #tpu.memory_space<vmem>>, vector<1x16xf32>,
      %get3A_552 = vector.shape_cast %get3A_551 : vector<1x16xf32> to vector<16xf32>
      %add3A_553 = arith.addf %add3A_546, %get3A_552 : vector<16xf32>
      %add3A_554 = arith.constant 352 : i32
      %add3A_555 = arith.addi %add3A_554, %add3A_55 : i32
      %get3A_556 = arith.index_cast %add3A_555 : i32 to index
      %get3A_557 = arith.constant 48 : index
      %get3A_558 = tpu.vector_load %arg6[%get3A_556, %get3A_557] {strides = array<i32>} : memref<640x128xf32, #tpu.memory_space<vmem>>, vector<1x16xf32>,
      %get3A_559 = vector.shape_cast %get3A_558 : vector<1x16xf32> to vector<16xf32>
      %add3A_560 = arith.addf %add3A_553, %get3A_559 : vector<16xf32>
      %add3A_561 = arith.constant 384 : i32
      %add3A_562 = arith.addi %add3A_561, %add3A_55 : i32
      %get3A_563 = arith.index_cast %add3A_562 : i32 to index
      %get3A_564 = arith.constant 48 : index
      %get3A_565 = tpu.vector_load %arg6[%get3A_563, %get3A_564] {strides = array<i32>} : memref<640x128xf32, #tpu.memory_space<vmem>>, vector<1x16xf32>,
      %get3A_566 = vector.shape_cast %get3A_565 : vector<1x16xf32> to vector<16xf32>
      %add3A_567 = arith.addf %add3A_560, %get3A_566 : vector<16xf32>
      %add3A_568 = arith.constant 416 : i32
      %add3A_569 = arith.addi %add3A_568, %add3A_55 : i32
      %get3A_570 = arith.index_cast %add3A_569 : i32 to index
      %get3A_571 = arith.constant 48 : index
      %get3A_572 = tpu.vector_load %arg6[%get3A_570, %get3A_571] {strides = array<i32>} : memref<640x128xf32, #tpu.memory_space<vmem>>, vector<1x16xf32>,
      %get3A_573 = vector.shape_cast %get3A_572 : vector<1x16xf32> to vector<16xf32>
      %add3A_574 = arith.addf %add3A_567, %get3A_573 : vector<16xf32>
      %add3A_575 = arith.constant 448 : i32
      %add3A_576 = arith.addi %add3A_575, %add3A_55 : i32
      %get3A_577 = arith.index_cast %add3A_576 : i32 to index
      %get3A_578 = arith.constant 48 : index
      %get3A_579 = tpu.vector_load %arg6[%get3A_577, %get3A_578] {strides = array<i32>} : memref<640x128xf32, #tpu.memory_space<vmem>>, vector<1x16xf32>,
      %get3A_580 = vector.shape_cast %get3A_579 : vector<1x16xf32> to vector<16xf32>
      %add3A_581 = arith.addf %add3A_574, %get3A_580 : vector<16xf32>
      %add3A_582 = arith.constant 480 : i32
      %add3A_583 = arith.addi %add3A_582, %add3A_55 : i32
      %get3A_584 = arith.index_cast %add3A_583 : i32 to index
      %get3A_585 = arith.constant 48 : index
      %get3A_586 = tpu.vector_load %arg6[%get3A_584, %get3A_585] {strides = array<i32>} : memref<640x128xf32, #tpu.memory_space<vmem>>, vector<1x16xf32>,
      %get3A_587 = vector.shape_cast %get3A_586 : vector<1x16xf32> to vector<16xf32>
      %add3A_588 = arith.addf %add3A_581, %get3A_587 : vector<16xf32>
      %add3A_589 = arith.constant 512 : i32
      %add3A_590 = arith.addi %add3A_589, %add3A_55 : i32
      %get3A_591 = arith.index_cast %add3A_590 : i32 to index
      %get3A_592 = arith.constant 48 : index
      %get3A_593 = tpu.vector_load %arg6[%get3A_591, %get3A_592] {strides = array<i32>} : memref<640x128xf32, #tpu.memory_space<vmem>>, vector<1x16xf32>,
      %get3A_594 = vector.shape_cast %get3A_593 : vector<1x16xf32> to vector<16xf32>
      %add3A_595 = arith.addf %add3A_588, %get3A_594 : vector<16xf32>
      %add3A_596 = arith.constant 544 : i32
      %add3A_597 = arith.addi %add3A_596, %add3A_55 : i32
      %get3A_598 = arith.index_cast %add3A_597 : i32 to index
      %get3A_599 = arith.constant 48 : index
      %get3A_600 = tpu.vector_load %arg6[%get3A_598, %get3A_599] {strides = array<i32>} : memref<640x128xf32, #tpu.memory_space<vmem>>, vector<1x16xf32>,
      %get3A_601 = vector.shape_cast %get3A_600 : vector<1x16xf32> to vector<16xf32>
      %add3A_602 = arith.addf %add3A_595, %get3A_601 : vector<16xf32>
      %add3A_603 = arith.constant 576 : i32
      %add3A_604 = arith.addi %add3A_603, %add3A_55 : i32
      %get3A_605 = arith.index_cast %add3A_604 : i32 to index
      %get3A_606 = arith.constant 48 : index
      %get3A_607 = tpu.vector_load %arg6[%get3A_605, %get3A_606] {strides = array<i32>} : memref<640x128xf32, #tpu.memory_space<vmem>>, vector<1x16xf32>,
      %get3A_608 = vector.shape_cast %get3A_607 : vector<1x16xf32> to vector<16xf32>
      %add3A_609 = arith.addf %add3A_602, %get3A_608 : vector<16xf32>
      %add3A_610 = arith.constant 608 : i32
      %add3A_611 = arith.addi %add3A_610, %add3A_55 : i32
      %get3A_612 = arith.index_cast %add3A_611 : i32 to index
      %get3A_613 = arith.constant 48 : index
      %get3A_614 = tpu.vector_load %arg6[%get3A_612, %get3A_613] {strides = array<i32>} : memref<640x128xf32, #tpu.memory_space<vmem>>, vector<1x16xf32>,
      %get3A_615 = vector.shape_cast %get3A_614 : vector<1x16xf32> to vector<16xf32>
      %add3A_616 = arith.addf %add3A_609, %get3A_615 : vector<16xf32>
      %swap3A_617 = arith.index_cast %add3A_55 : i32 to index
      %swap3A_618 = arith.constant 48 : index
      %swap3A_619 = tpu.vector_load %arg7[%swap3A_617, %swap3A_618] {strides = array<i32>} : memref<32x128xf32, #tpu.memory_space<vmem>>, vector<1x16xf32>,
      %swap3A_620 = vector.shape_cast %swap3A_619 : vector<1x16xf32> to vector<16xf32>
      %swap3A_621 = vector.shape_cast %add3A_616 : vector<16xf32> to vector<1x16xf32>
      tpu.vector_store %arg7[%swap3A_617, %swap3A_618], %swap3A_621 {strides = array<i32>} : memref<32x128xf32, #tpu.memory_space<vmem>>, vector<1x16xf32>,
    }
    %scan3A_50 = arith.constant 32 : i32
    "tpu.region"() ({
      %run_scoped3A = tpu.sem_alloc : memref<!tpu.dma_semaphore, #tpu.memory_space<semaphore_mem>>
      %dma_start3A_51 = arith.constant 0 : i32
      %dma_start3A_52 = tpu.memref_slice %arg4[%mul3A_2, %dma_start3A_51] : memref<1024x128xf32, #tpu.memory_space<hbm>> -> memref<32x128xf32, #tpu.memory_space<hbm>>
      %dma_start3A_53 = arith.constant 0 : i32
      %dma_start3A_54 = tpu.memref_slice %arg4[%mul3A_2, %dma_start3A_53] : memref<1024x128xf32, #tpu.memory_space<hbm>> -> memref<32x128xf32, #tpu.memory_space<hbm>>
      tpu.enqueue_dma source(%arg7 : memref<32x128xf32, #tpu.memory_space<vmem>>) target(%dma_start3A_54 : memref<32x128xf32, #tpu.memory_space<hbm>>) target_semaphore(%run_scoped3A : memref<!tpu.dma_semaphore, #tpu.memory_space<semaphore_mem>>)
      %dma_wait3A_55 = arith.constant 0 : i32
      %dma_wait3A_56 = tpu.memref_slice %arg4[%mul3A_2, %dma_wait3A_55] : memref<1024x128xf32, #tpu.memory_space<hbm>> -> memref<32x128xf32, #tpu.memory_space<hbm>>
      %dma_wait3A_57 = arith.constant 0 : i32
      %dma_wait3A_58 = tpu.memref_slice %arg4[%mul3A_2, %dma_wait3A_57] : memref<1024x128xf32, #tpu.memory_space<hbm>> -> memref<32x128xf32, #tpu.memory_space<hbm>>
      tpu.wait_dma2 semaphore(%run_scoped3A : memref<!tpu.dma_semaphore, #tpu.memory_space<semaphore_mem>>) src(%arg7 : memref<32x128xf32, #tpu.memory_space<vmem>>) dst(%dma_wait3A_58 : memref<32x128xf32, #tpu.memory_space<hbm>>)
      tpu.yield
    }) : () -> ()
    return
  }
}

module attributes {stable_mosaic.version = 14 : i64} {
  func.func @_idx_body(%arg0: memref<1024x20xi32, #tpu.memory_space<vmem>>, %arg1: memref<20480xi32, #tpu.memory_space<vmem>>) attributes {dimension_semantics = [], scalar_prefetch = 0 : i64, scratch_operands = 0 : i64, tpu.core_type = #tpu.core_type<tc>} {
    %get3A = arith.constant 0 : index
    %get3A_0 = arith.constant 0 : index
    %get3A_1 = vector.load %arg0[%get3A, %get3A_0] : memref<1024x20xi32, #tpu.memory_space<vmem>>, vector<1024x20xi32>
    %transpose3A = tpu.transpose %get3A_1, [1, 0] : vector<1024x20xi32> -> vector<20x1024xi32>
    %reshape3A = vector.shape_cast %transpose3A : vector<20x1024xi32> to vector<20480xi32>
    %swap3A = arith.constant 0 : index
    %swap3A_2 = vector.load %arg1[%swap3A] : memref<20480xi32, #tpu.memory_space<vmem>>, vector<20480xi32>
    tpu.vector_store %arg1[%swap3A], %reshape3A {strides = array<i32>} : memref<20480xi32, #tpu.memory_space<vmem>>, vector<20480xi32>,
    return
  }
}

module attributes {stable_mosaic.version = 14 : i64} {
  func.func @_tbl_body(%arg0: i32, %arg1: memref<64x2048xf32, #tpu.memory_space<vmem>>, %arg2: memref<2048x128xf32, #tpu.memory_space<vmem>>) attributes {dimension_semantics = [#tpu.dimension_semantics<arbitrary>], iteration_bounds = array<i64: 49>, scalar_prefetch = 0 : i64, scratch_operands = 0 : i64, tpu.core_type = #tpu.core_type<tc>, window_params = [{transform_indices = @transform_0, window_bounds = array<i64: 64, 2048>}, {transform_indices = @transform_1, window_bounds = array<i64: 2048, 128>}]} {
    %get3A = arith.constant 0 : index
    %get3A_0 = arith.constant 0 : index
    %get3A_1 = vector.load %arg1[%get3A, %get3A_0] : memref<64x2048xf32, #tpu.memory_space<vmem>>, vector<64x2048xf32>
    %transpose3A = tpu.transpose %get3A_1, [1, 0] : vector<64x2048xf32> -> vector<2048x64xf32>
    %jit3A = arith.constant 0 : i32
    %convert_element_type3A = arith.sitofp %jit3A : i32 to f32
    %pad3A = vector.broadcast %convert_element_type3A : f32 to vector<2048x64xf32>
    %pad3A_2 = tpu.concatenate %transpose3A, %pad3A in 1 : vector<2048x64xf32>, vector<2048x64xf32> -> vector<2048x128xf32>
    %swap3A = arith.constant 0 : index
    %swap3A_3 = arith.constant 0 : index
    %swap3A_4 = vector.load %arg2[%swap3A, %swap3A_3] : memref<2048x128xf32, #tpu.memory_space<vmem>>, vector<2048x128xf32>
    tpu.vector_store %arg2[%swap3A, %swap3A_3], %pad3A_2 {strides = array<i32>} : memref<2048x128xf32, #tpu.memory_space<vmem>>, vector<2048x128xf32>,
    return
  }
  func.func @transform_0(%arg0: i32) -> (i32, i32) {
    %c0_i32 = arith.constant 0 : i32
    %c0_i32_0 = arith.constant 0 : i32
    return %c0_i32, %arg0 : i32, i32
  }
  func.func @transform_1(%arg0: i32) -> (i32, i32) {
    %c0_i32 = arith.constant 0 : i32
    %c0_i32_0 = arith.constant 0 : i32
    return %arg0, %c0_i32 : i32, i32
  }
}

module attributes {stable_mosaic.version = 14 : i64} {
  func.func @_stats_body(%arg0: i32, %arg1: memref<65x1024xf32, #tpu.memory_space<vmem>>, %arg2: memref<65x4352xbf16, #tpu.memory_space<vmem>>, %arg3: memref<1x1024xf32, #tpu.memory_space<vmem>>, %arg4: memref<1x1024xf32, #tpu.memory_space<vmem>>) attributes {dimension_semantics = [#tpu.dimension_semantics<arbitrary>], iteration_bounds = array<i64: 23>, scalar_prefetch = 0 : i64, scratch_operands = 0 : i64, tpu.core_type = #tpu.core_type<tc>, window_params = [{pipeline_mode = #tpu.pipeline_mode<synchronous>, transform_indices = @transform_0, window_bounds = array<i64: 65, 1024>}, {transform_indices = @transform_1, window_bounds = array<i64: 65, 4352>}, {pipeline_mode = #tpu.pipeline_mode<synchronous>, transform_indices = @transform_2, window_bounds = array<i64: 1, 1024>}, {pipeline_mode = #tpu.pipeline_mode<synchronous>, transform_indices = @transform_3, window_bounds = array<i64: 1, 1024>}]} {
    %eq3A = arith.constant 0 : i32
    %eq3A_0 = arith.cmpi eq, %arg0, %eq3A : i32
    %convert_element_type3A = arith.extui %eq3A_0 : i1 to i32
    %cond3A = arith.constant 0 : i32
    %cond3A_1 = arith.cmpi ne, %convert_element_type3A, %cond3A : i32
    scf.if %cond3A_1 {
      %broadcast_in_dim3A_31 = arith.constant 0xFF800000 : f32
      %broadcast_in_dim3A_32 = vector.broadcast %broadcast_in_dim3A_31 : f32 to vector<1x1024xf32>
      %swap3A_33 = arith.constant 0 : index
      %swap3A_34 = arith.constant 0 : index
      %swap3A_35 = vector.load %arg4[%swap3A_33, %swap3A_34] : memref<1x1024xf32, #tpu.memory_space<vmem>>, vector<1x1024xf32>
      tpu.vector_store %arg4[%swap3A_33, %swap3A_34], %broadcast_in_dim3A_32 {strides = array<i32>} : memref<1x1024xf32, #tpu.memory_space<vmem>>, vector<1x1024xf32>,
      %broadcast_in_dim3A_36 = arith.constant 0.000000e+00 : f32
      %broadcast_in_dim3A_37 = vector.broadcast %broadcast_in_dim3A_36 : f32 to vector<1x1024xf32>
      %swap3A_38 = arith.constant 0 : index
      %swap3A_39 = arith.constant 0 : index
      %swap3A_40 = vector.load %arg3[%swap3A_38, %swap3A_39] : memref<1x1024xf32, #tpu.memory_space<vmem>>, vector<1x1024xf32>
      tpu.vector_store %arg3[%swap3A_38, %swap3A_39], %broadcast_in_dim3A_37 {strides = array<i32>} : memref<1x1024xf32, #tpu.memory_space<vmem>>, vector<1x1024xf32>,
    } else {
    }
    %get3A = arith.constant 0 : index
    %get3A_2 = arith.constant 0 : index
    %get3A_3 = vector.load %arg2[%get3A, %get3A_2] : memref<65x4352xbf16, #tpu.memory_space<vmem>>, vector<65x4352xbf16>
    %get3A_4 = arith.constant 0 : index
    %get3A_5 = arith.constant 0 : index
    %get3A_6 = vector.load %arg1[%get3A_4, %get3A_5] : memref<65x1024xf32, #tpu.memory_space<vmem>>, vector<65x1024xf32>
    %convert_element_type3A_7 = arith.truncf %get3A_6 : vector<65x1024xf32> to vector<65x1024xbf16>
    %dot_general3A = arith.constant dense<0.000000e+00> : vector<4352x1024xf32>
    %dot_general3A_8 = tpu.matmul %get3A_3, %convert_element_type3A_7, %dot_general3A {dimension_numbers = #tpu.dot_dimension_numbers<[0], [0], [1], [1], [0, 1, 1, 1], [], []>, transpose_lhs_hint = false} : vector<65x4352xbf16>, vector<65x1024xbf16>, vector<4352x1024xf32> -> vector<4352x1024xf32>
    %reduce_max3A = arith.constant dense<0xFF800000> : vector<1024xf32>
    %reduce_max3A_9 = vector.multi_reduction <maximumf>, %dot_general3A_8, %reduce_max3A [0] : vector<4352x1024xf32> to vector<1024xf32>
    %broadcast_in_dim3A = vector.shape_cast %reduce_max3A_9 : vector<1024xf32> to vector<1x1024xf32>
    %get3A_10 = arith.constant 0 : index
    %get3A_11 = arith.constant 0 : index
    %get3A_12 = vector.load %arg4[%get3A_10, %get3A_11] : memref<1x1024xf32, #tpu.memory_space<vmem>>, vector<1x1024xf32>
    %max3A = arith.maximumf %get3A_12, %broadcast_in_dim3A : vector<1x1024xf32>
    %sub3A = vector.broadcast %max3A : vector<1x1024xf32> to vector<4352x1024xf32>
    %sub3A_13 = arith.subf %dot_general3A_8, %sub3A : vector<4352x1024xf32>
    %exp23A = math.exp2 %sub3A_13 : vector<4352x1024xf32>
    %reduce_sum3A = arith.constant dense<0.000000e+00> : vector<1024xf32>
    %reduce_sum3A_14 = vector.multi_reduction <add>, %exp23A, %reduce_sum3A [0] : vector<4352x1024xf32> to vector<1024xf32>
    %broadcast_in_dim3A_15 = vector.shape_cast %reduce_sum3A_14 : vector<1024xf32> to vector<1x1024xf32>
    %get3A_16 = arith.constant 0 : index
    %get3A_17 = arith.constant 0 : index
    %get3A_18 = vector.load %arg3[%get3A_16, %get3A_17] : memref<1x1024xf32, #tpu.memory_space<vmem>>, vector<1x1024xf32>
    %sub3A_19 = arith.subf %get3A_12, %max3A : vector<1x1024xf32>
    %exp23A_20 = math.exp2 %sub3A_19 : vector<1x1024xf32>
    %mul3A = arith.mulf %get3A_18, %exp23A_20 : vector<1x1024xf32>
    %add3A = arith.addf %mul3A, %broadcast_in_dim3A_15 : vector<1x1024xf32>
    %swap3A = arith.constant 0 : index
    %swap3A_21 = arith.constant 0 : index
    %swap3A_22 = vector.load %arg3[%swap3A, %swap3A_21] : memref<1x1024xf32, #tpu.memory_space<vmem>>, vector<1x1024xf32>
    tpu.vector_store %arg3[%swap3A, %swap3A_21], %add3A {strides = array<i32>} : memref<1x1024xf32, #tpu.memory_space<vmem>>, vector<1x1024xf32>,
    %swap3A_23 = arith.constant 0 : index
    %swap3A_24 = arith.constant 0 : index
    %swap3A_25 = vector.load %arg4[%swap3A_23, %swap3A_24] : memref<1x1024xf32, #tpu.memory_space<vmem>>, vector<1x1024xf32>
    tpu.vector_store %arg4[%swap3A_23, %swap3A_24], %max3A {strides = array<i32>} : memref<1x1024xf32, #tpu.memory_space<vmem>>, vector<1x1024xf32>,
    %eq3A_26 = arith.constant 22 : i32
    %eq3A_27 = arith.cmpi eq, %arg0, %eq3A_26 : i32
    %convert_element_type3A_28 = arith.extui %eq3A_27 : i1 to i32
    %cond3A_29 = arith.constant 0 : i32
    %cond3A_30 = arith.cmpi ne, %convert_element_type3A_28, %cond3A_29 : i32
    scf.if %cond3A_30 {
      %get3A_31 = arith.constant 0 : index
      %get3A_32 = arith.constant 0 : index
      %get3A_33 = vector.load %arg4[%get3A_31, %get3A_32] : memref<1x1024xf32, #tpu.memory_space<vmem>>, vector<1x1024xf32>
      %get3A_34 = arith.constant 0 : index
      %get3A_35 = arith.constant 0 : index
      %get3A_36 = vector.load %arg3[%get3A_34, %get3A_35] : memref<1x1024xf32, #tpu.memory_space<vmem>>, vector<1x1024xf32>
      %log3A = math.log %get3A_36 : vector<1x1024xf32>
      %log3A_37 = arith.constant 2.000000e+00 : f32
      %log3A_38 = math.log %log3A_37 : f32
      %div3A = vector.broadcast %log3A_38 : f32 to vector<1x1024xf32>
      %div3A_39 = arith.divf %log3A, %div3A : vector<1x1024xf32>
      %add3A_40 = arith.addf %get3A_33, %div3A_39 : vector<1x1024xf32>
      %mul3A_41 = arith.constant 0.693147182 : f32
      %mul3A_42 = vector.broadcast %mul3A_41 : f32 to vector<1x1024xf32>
      %mul3A_43 = arith.mulf %add3A_40, %mul3A_42 : vector<1x1024xf32>
      %swap3A_44 = arith.constant 0 : index
      %swap3A_45 = arith.constant 0 : index
      %swap3A_46 = vector.load %arg3[%swap3A_44, %swap3A_45] : memref<1x1024xf32, #tpu.memory_space<vmem>>, vector<1x1024xf32>
      tpu.vector_store %arg3[%swap3A_44, %swap3A_45], %mul3A_43 {strides = array<i32>} : memref<1x1024xf32, #tpu.memory_space<vmem>>, vector<1x1024xf32>,
    } else {
    }
    return
  }
  func.func @transform_0(%arg0: i32) -> (i32, i32) {
    %c0_i32 = arith.constant 0 : i32
    %c0_i32_0 = arith.constant 0 : i32
    %c0_i32_1 = arith.constant 0 : i32
    return %c0_i32, %c0_i32_0 : i32, i32
  }
  func.func @transform_1(%arg0: i32) -> (i32, i32) {
    %c0_i32 = arith.constant 0 : i32
    %c0_i32_0 = arith.constant 0 : i32
    return %c0_i32, %arg0 : i32, i32
  }
  func.func @transform_2(%arg0: i32) -> (i32, i32) {
    %c0_i32 = arith.constant 0 : i32
    %c0_i32_0 = arith.constant 0 : i32
    %c0_i32_1 = arith.constant 0 : i32
    return %c0_i32, %c0_i32_0 : i32, i32
  }
  func.func @transform_3(%arg0: i32) -> (i32, i32) {
    %c0_i32 = arith.constant 0 : i32
    %c0_i32_0 = arith.constant 0 : i32
    %c0_i32_1 = arith.constant 0 : i32
    return %c0_i32, %c0_i32_0 : i32, i32
  }
}

module attributes {stable_mosaic.version = 14 : i64} {
  func.func @_out_body(%arg0: i32, %arg1: memref<65x1024xf32, #tpu.memory_space<vmem>>, %arg2: memref<65x2176xbf16, #tpu.memory_space<vmem>>, %arg3: memref<1x1024xf32, #tpu.memory_space<vmem>>, %arg4: memref<2176x1024xf32, #tpu.memory_space<vmem>>) attributes {dimension_semantics = [#tpu.dimension_semantics<arbitrary>], iteration_bounds = array<i64: 46>, scalar_prefetch = 0 : i64, scratch_operands = 0 : i64, tpu.core_type = #tpu.core_type<tc>, window_params = [{pipeline_mode = #tpu.pipeline_mode<synchronous>, transform_indices = @transform_0, window_bounds = array<i64: 65, 1024>}, {transform_indices = @transform_1, window_bounds = array<i64: 65, 2176>}, {pipeline_mode = #tpu.pipeline_mode<synchronous>, transform_indices = @transform_2, window_bounds = array<i64: 1, 1024>}, {transform_indices = @transform_3, window_bounds = array<i64: 2176, 1024>}]} {
    %get3A = arith.constant 0 : index
    %get3A_0 = arith.constant 0 : index
    %get3A_1 = vector.load %arg2[%get3A, %get3A_0] : memref<65x2176xbf16, #tpu.memory_space<vmem>>, vector<65x2176xbf16>
    %get3A_2 = arith.constant 0 : index
    %get3A_3 = arith.constant 0 : index
    %get3A_4 = vector.load %arg1[%get3A_2, %get3A_3] : memref<65x1024xf32, #tpu.memory_space<vmem>>, vector<65x1024xf32>
    %convert_element_type3A = arith.truncf %get3A_4 : vector<65x1024xf32> to vector<65x1024xbf16>
    %dot_general3A = arith.constant dense<0.000000e+00> : vector<2176x1024xf32>
    %dot_general3A_5 = tpu.matmul %get3A_1, %convert_element_type3A, %dot_general3A {dimension_numbers = #tpu.dot_dimension_numbers<[0], [0], [1], [1], [0, 1, 1, 1], [], []>, transpose_lhs_hint = false} : vector<65x2176xbf16>, vector<65x1024xbf16>, vector<2176x1024xf32> -> vector<2176x1024xf32>
    %mul3A = arith.constant 0.693147182 : f32
    %mul3A_6 = vector.broadcast %mul3A : f32 to vector<2176x1024xf32>
    %mul3A_7 = arith.mulf %dot_general3A_5, %mul3A_6 : vector<2176x1024xf32>
    %get3A_8 = arith.constant 0 : index
    %get3A_9 = arith.constant 0 : index
    %get3A_10 = vector.load %arg3[%get3A_8, %get3A_9] : memref<1x1024xf32, #tpu.memory_space<vmem>>, vector<1x1024xf32>
    %sub3A = vector.broadcast %get3A_10 : vector<1x1024xf32> to vector<2176x1024xf32>
    %sub3A_11 = arith.subf %mul3A_7, %sub3A : vector<2176x1024xf32>
    %swap3A = arith.constant 0 : index
    %swap3A_12 = arith.constant 0 : index
    %swap3A_13 = vector.load %arg4[%swap3A, %swap3A_12] : memref<2176x1024xf32, #tpu.memory_space<vmem>>, vector<2176x1024xf32>
    tpu.vector_store %arg4[%swap3A, %swap3A_12], %sub3A_11 {strides = array<i32>} : memref<2176x1024xf32, #tpu.memory_space<vmem>>, vector<2176x1024xf32>,
    return
  }
  func.func @transform_0(%arg0: i32) -> (i32, i32) {
    %c0_i32 = arith.constant 0 : i32
    %c0_i32_0 = arith.constant 0 : i32
    %c0_i32_1 = arith.constant 0 : i32
    return %c0_i32, %c0_i32_0 : i32, i32
  }
  func.func @transform_1(%arg0: i32) -> (i32, i32) {
    %c0_i32 = arith.constant 0 : i32
    %c0_i32_0 = arith.constant 0 : i32
    return %c0_i32, %arg0 : i32, i32
  }
  func.func @transform_2(%arg0: i32) -> (i32, i32) {
    %c0_i32 = arith.constant 0 : i32
    %c0_i32_0 = arith.constant 0 : i32
    %c0_i32_1 = arith.constant 0 : i32
    return %c0_i32, %c0_i32_0 : i32, i32
  }
  func.func @transform_3(%arg0: i32) -> (i32, i32) {
    %c0_i32 = arith.constant 0 : i32
    %c0_i32_0 = arith.constant 0 : i32
    return %arg0, %c0_i32 : i32, i32
  }
}

</mosaic_0001>

<sc_bundles>
// kernel: kernel.7.cloned.1.call-start
scs
__scs_entry_jumppad:
0x0: {  	(pc) =	sbr.rel $0x88, $3  }
0x1: {  	(tag) =	ssettag $0x0;
	lr =	simm.s32 $0x1  }
0x2: {  	[smem:$0x3F9D] =	sst lr;
	_ =	strace $0xD0000000  }
0x3: {  	_ = 	snop  }
0x4: {  	_ = 	snop  }
0x5: {  	_ = 	snop  }
0x6: {  	_ = 	snop  }
0x7: {  	_ = 	snop  }
__scs_overlays_trampoline_lowered:
0x8: {  	[smem:$0x3FAC] =	sst s0  }
0x9: {  	[smem:$0x3FAD] =	sst s1  }
0xa: {  	[smem:$0x3FAE] =	sst s2  }
0xb: {  	[smem:$0x3FAF] =	sst s3  }
0xc: {  	[smem:$0x3FB0] =	sst s4  }
0xd: {  	[smem:$0x3FB1] =	sst s5  }
0xe: {  	[smem:$0x3FB2] =	sst s6  }
0xf: {  	[smem:$0x3FB3] =	sst s7  }
0x10: {  	[smem:$0x3FB4] =	sst s8  }
0x11: {  	[smem:$0x3FB5] =	sst s9;
	s0 =	simm.s32 @!p0 $0x0  }
0x12: {  	s1 =	sld [smem:$0x3F9B];
	s0 =	simm.s32 @p0 $0x1  }
0x13: {  	[smem:$0x3FB6] =	sst s0;
	s0 =	simm.s32 @!p1 $0x0  }
0x14: {  	s2 =	sld [smem:$0x3F9A];
	s0 =	simm.s32 @p1 $0x1  }
0x15: {  	[smem:$0x3FB7] =	sst s0;
	s0 =	simm.s32 @!p2 $0x0  }
0x16: {  	s3 =	sld [smem:$0x3FDB];
	s0 =	simm.s32 @p2 $0x1  }
0x17: {  	s4 =	simm.s32 $0x1BF5;
	[smem:$0x3FB9] =	sst s0  }
0x18: {  	s0 =	sld [smem:$0x3F9C];
	_ =	swait.ge [sflag:s4], $0x0  }
0x19: {  	s7 =	sld [smem:$0x3F9D]  }
0x1a: {  	s8 =	sadd.s32 $0xFFFFE003, lr  }
0x1b: {  	s9 =	sadd.s32 $0xFFFFFEF7, lr;
	s5 =	simm.s32 $0xFFFFFFFF;
	p2 =	slt.u32 s8, $0xFFFFF086  }
0x1c: {  	p1 =	slt.u32 s9, $0xF7A;
	s5 =	simm.s32 @!p2 $0x0  }
0x1d: {  	s5 =	simm.s32 @p1 $0x1;
	p0 =	seq.s32 s7, s2  }
0x1e: {  	s7 =	smul.u32 @!p0 $0xF7A, s2;
	p2 =	seq.s32 @!p0 s5, $0x0  }
0x1f: {  	s9 =	smul.u32 $0xF7A, s1;
	s8 =	simm.s32 @!p0 $0x1BF5;
	p2 =	por !p2, p0  }
0x20: {  	[sflag:s8] =	ssyncset.s32 @!p0 $0xFFFFF086;
	s6 =	sadd.s32 @!p0 s3, s7;
	s7 =	simm.s32 @!p0 $0x108  }
0x21: {  	s3 =	sadd.s32 s3, s9;
	s6 =	sadd.s32 @!p0 $0x88, s6;
	s7 =	simm.s32 @p2 $0x1082  }
0x22: {  	[simem:s7], [sflag:s8] =	dma.local @!p0 [hbm:s6], $0xF7A  }
0x23: {  	s9 =	sor.u32 $0xD0000000, s2;
	s6 =	simm.s32 $0x108;
	_ =	swait.ge @!p0 [sflag:s8], $0x0  }
0x24: {  	s3 =	sadd.s32 $0x88, s3;
	s6 =	simm.s32 @!p1 $0x1082;
	[sflag:s4] =	ssyncset.s32 $0xFFFFF086  }
0x25: {  	[simem:s6], [sflag:s4] =	dma.local [hbm:s3], $0xF7A  }
0x26: {  	[smem:$0x3F9D] =	sst s1;
	(tag) =	ssettag s2;
	_ =	strace s9  }
0x27: {  	s1 =	sld [smem:$0x3FAD]  }
0x28: {  	s2 =	sld [smem:$0x3FAE]  }
0x29: {  	s4 =	sld [smem:$0x3FB0]  }
0x2a: {  	p0 =	seq.s32 s5, $0x0;
	s5 =	sld [smem:$0x3FB1]  }
0x2b: {  	s6 =	sld [smem:$0x3FB2]  }
0x2c: {  	s7 =	sld [smem:$0x3FB3]  }
0x2d: {  	s3 =	simm.s32 $0x108;
	s8 =	sld [smem:$0x3FB4]  }
0x2e: {  	s3 =	simm.s32 @!p0 $0x1082;
	s9 =	sld [smem:$0x3FB5]  }
0x2f: {  	lr =	sadd.s32 s0, s3;
	s0 =	sld [smem:$0x3FAC]  }
0x30: {  	s3 =	sld [smem:$0x3FAF]  }
0x31: {  	[smem:$0x3FB8] =	sst s10  }
0x32: {  	s10 =	sld [smem:$0x3FB6];
	_ =	sdelay $0x3  }
0x33: {  	p0 =	seq.s32 s10, $0x1;
	s10 =	sld [smem:$0x3FB8];
	_ =	sdelay $0x3  }
0x34: {  	[smem:$0x3FB8] =	sst s10  }
0x35: {  	s10 =	sld [smem:$0x3FB7];
	_ =	sdelay $0x3  }
0x36: {  	p1 =	seq.s32 s10, $0x1;
	s10 =	sld [smem:$0x3FB8];
	_ =	sdelay $0x3  }
0x37: {  	[smem:$0x3FB8] =	sst s10  }
0x38: {  	s10 =	sld [smem:$0x3FB9]  }
0x39: {  	_ = 	snop;
	(pc) =	sbr.ind lr, $3  }
0x3a: {  	_ = 	snop  }
0x3b: {  	_ = 	snop  }
0x3c: {  	p2 =	seq.s32 s10, $0x1;
	s10 =	sld [smem:$0x3FB8]  }
0x3d: {  	_ =	shalt  }
0x3e: {  	_ =	shalt  }
0x3f: {  	_ =	shalt  }
0x40: {  	_ =	shalt  }
0x41: {  	_ =	shalt  }
0x42: {  	_ =	shalt  }
0x43: {  	_ =	shalt  }
0x44: {  	_ =	shalt  }
0x45: {  	_ =	shalt  }
0x46: {  	_ =	shalt  }
0x47: {  	_ =	shalt  }
0x48: {  	_ =	shalt  }
0x49: {  	_ =	shalt  }
0x4a: {  	_ =	shalt  }
0x4b: {  	_ =	shalt  }
0x4c: {  	_ =	shalt  }
0x4d: {  	_ =	shalt  }
0x4e: {  	_ =	shalt  }
0x4f: {  	_ =	shalt  }
0x50: {  	_ =	shalt  }
0x51: {  	_ =	shalt  }
0x52: {  	_ =	shalt  }
0x53: {  	_ =	shalt  }
0x54: {  	_ =	shalt  }
0x55: {  	_ =	shalt  }
0x56: {  	_ =	shalt  }
0x57: {  	_ =	shalt  }
0x58: {  	_ =	shalt  }
0x59: {  	_ =	shalt  }
0x5a: {  	_ =	shalt  }
0x5b: {  	_ =	shalt  }
0x5c: {  	_ =	shalt  }
0x5d: {  	_ =	shalt  }
0x5e: {  	_ =	shalt  }
0x5f: {  	_ =	shalt  }
0x60: {  	_ =	shalt  }
0x61: {  	_ =	shalt  }
0x62: {  	_ =	shalt  }
0x63: {  	_ =	shalt  }
0x64: {  	_ =	shalt  }
0x65: {  	_ =	shalt  }
0x66: {  	_ =	shalt  }
0x67: {  	_ =	shalt  }
0x68: {  	_ =	shalt  }
0x69: {  	_ =	shalt  }
0x6a: {  	_ =	shalt  }
0x6b: {  	_ =	shalt  }
0x6c: {  	_ =	shalt  }
0x6d: {  	_ =	shalt  }
0x6e: {  	_ =	shalt  }
0x6f: {  	_ =	shalt  }
0x70: {  	_ =	shalt  }
0x71: {  	_ =	shalt  }
0x72: {  	_ =	shalt  }
0x73: {  	_ =	shalt  }
0x74: {  	_ =	shalt  }
0x75: {  	_ =	shalt  }
0x76: {  	_ =	shalt  }
0x77: {  	_ =	shalt  }
0x78: {  	_ =	shalt  }
0x79: {  	_ =	shalt  }
0x7a: {  	_ =	shalt  }
0x7b: {  	_ =	shalt  }
0x7c: {  	_ =	shalt  }
0x7d: {  	_ =	shalt  }
0x7e: {  	_ =	shalt  }
0x7f: {  	_ =	shalt  }
0x80: {  	_ =	shalt  }
0x81: {  	_ =	shalt  }
0x82: {  	_ =	shalt  }
0x83: {  	_ =	shalt  }
0x84: {  	_ =	shalt  }
0x85: {  	_ =	shalt  }
0x86: {  	_ =	shalt  }
0x87: {  	_ =	shalt  }
.Lfunc_end0:
.L_simem_size_0:
called_computation_lowered:
.L_overlay_start_0:
0x88: {  	s2 =	sld [smem:$0x3FD9]  }
0x89: {  	s3 =	sld [smem:$0x3FFE];
	_ =	sdelay $0x1  }
0x8a: {  	s1 =	srdreg.scid  }
0x8b: {  	s0 =	sand.u32 $0x1, s1  }
0x8c: {  	s17 =	sshll.u32 s0, $0xA;
	s2 =	sadd.s32 s3, s2  }
0x8d: {  	s2 =	sadd.s32 s2, s17  }
0x8e: {  	[smem:$0x3FC4] =	sst s2  }
0x8f: {  	_ = 	snop  }
0x90: {  	s2 =	sld [smem:$0x3FD0];
	(tm) =	ssettm $0x1  }
0x91: {  	s18 =	sld [smem:$0x3FFB];
	_ =	sdelay $0x3  }
0x92: {  	_ =	strace s18  }
0x93: {  	s3 =	sld [smem:$0x3FFC];
	_ =	sdelay $0x3  }
0x94: {  	_ =	strace s3  }
0x95: {  	s3 =	sld [smem:$0x3FFD];
	_ =	sdelay $0x3  }
0x96: {  	_ =	strace s3  }
0x97: {  	_ =	strace $0x8FFFFFFF  }
0x98: {  	s19 =	sld [smem:$0x3FDB];
	_ =	sdelay $0x1  }
0x99: {  	s4 =	simm.s32 $_scs_section_size  }
0x9a: {  	s5 =	simm.s32 $_size__tile_overlayer_lowered;
	s6 =	simm.s32 $_tile_overlayer_lowered  }
0x9b: {  	s22 =	simm.s32 $0x1BFF;
	s21 =	sshll.u32 s6, $0x1;
	s3 =	sadd.s32 s4, s19  }
0x9c: {  	s7 =	simm.s32 $0x0;
	s20 =	sshll.u32 s5, $0x1;
	s5 =	sadd.s32 s21, s3  }
0x9d: {  	[timem:s7], [sflag:s22] =	dma.local [hbm:s5], s20  }
0x9e: {  	_ =	swait.ge [sflag:s22], s20  }
0x9f: {  	s4 =	ssub.s32 $0x0, s20;
	[sflag:s22] =	ssyncset.done $0x0  }
0xa0: {  	[sflag:s22] =	ssyncadd.s32 s4;
	_ =	sdelay $0x1  }
0xa1: {  	s23 =	simm.s32 $0x1B8B  }
0xa2: {  	_ =	swait.ge [sflag:s23], $0x1  }
0xa3: {  	[sflag:s23] =	ssyncset.done $0x0  }
0xa4: {  	s25 =	simm.s32 $0x1B8E;
	s24 =	sld [smem:$0x3FFE];
	[sflag:s23] =	ssyncadd.s32 $0xFFFFFFFF  }
0xa5: {  	s26 =	simm.s32 $execute0_lowered;
	[smem:$0x3FD2] =	sst s25  }
0xa6: {  	s5 =	sshll.u32 s26, $0x1;
	_ =	strace $0x80000046;
	[dreg:$0x1] =	wrdreg $0xFFFFFFFF  }
0xa7: {  	s28 =	simm.s32 $_size_execute0_lowered;
	s3 =	sadd.s32 s3, s5;
	[dreg:$0x0] =	wrdreg $0x0  }
0xa8: {  	s5 =	sshll.u32 s28, $0x1;
	[dreg:$0x2] =	wrdreg s3  }
0xa9: {  	[dreg:$0x3] =	wrdreg s5  }
0xaa: {  	[dreg:$0x4] =	wrdreg $0xC0  }
0xab: {  	_ =	task [dreg:s7], $0x5FFFF  }
0xac: {  	[dreg:$0x1] =	wrdreg $0xFFFFFFFF  }
0xad: {  	[dreg:$0x0] =	wrdreg $0x60  }
0xae: {  	[dreg:$0x2] =	wrdreg s2  }
0xaf: {  	[dreg:$0x3] =	wrdreg s24  }
0xb0: {  	[dreg:$0x4] =	wrdreg $0x9  }
0xb1: {  	_ =	task.clear_ibuf [dreg:s7], $0x5FFFF;
	_ =	strace $0x90000046  }
0xb2: {  	s29 =	simm.s32 $0x9;
	_ =	strace $0x80000048  }
0xb3: {  	_ =	swait.ge [sflag:s29], $0x1  }
0xb4: {  	[sflag:s29] =	ssyncadd.s32 $0xFFFFFFFF  }
0xb5: {  	_ =	strace $0x90000048  }
0xb6: {  	_ =	sfence  }
0xb7: {  	s30 =	sld [smem:$0x0];
	_ =	sdelay $0x2  }
0xb8: {  	s31 =	sshll.u32 s1, $0xD;
	s1 =	sshrl.u32 s1, $0x2  }
0xb9: {  	s3 =	sand.u32 $0x4000, s31;
	s1 =	sadd.s32 s1, s30  }
0xba: {  	s0 =	sor.u32 s3, s0;
	s1 =	sshll.u32 s1, $0x11  }
0xbb: {  	s0 =	sor.u32 s1, s0  }
0xbc: {  	s0 =	sadd.s32 $0x8F2B, s0  }
0xbd: {  	[sflag:s0] =	ssyncadd.remote.s32 $0x1  }
0xbe: {  	_ =	sfence.sel $0xFFFF  }
0xbf: {  	[dreg:$0x0] =	wrdreg $0xFFFFFFFF;
	(pc) =	sbr.abs _section_cstart, $3  }
0xc0: {  	[dreg:$0x1] =	wrdreg $0xFFFFFFFF  }
0xc1: {  	_ =	task.clear_ibuf [dreg:s7], $0x2FFFF;
	_ =	strace $0x9FFFFFFF  }
0xc2: {  	(tm) =	ssettm $0x7FFFFFFF  }
0xc3: {  	_ =	shalt  }
tec
execute0_lowered:
.L_overlay_start_1:
0x0: {  	(tag) =	ssettag $0x1  }
0x1: {  	s0 =	rddreg [dreg:$0x1];
	s1 =	srdreg.scid  }
0x2: {  	s2 =	stileid.u32;
	s3 =	simm.s32 $0x0;
	s26 =	simm.s32 $0x2  }
0x3: {  	s28 =	simm.s32 $0x14280;
	s29 =	simm.s32 $0x0;
	s1 =	sand.u32 $0x1, s1  }
0x4: {  	s2 =	sshll.u32 s2, $0x6;
	[smem:$0x7FF] =	sst s3;
	s4 =	sshll.u32 s1, $0x5  }
0x5: {  	_ =	strace $0x80000047;
	s1 =	ssub.s32 $0x2, s1;
	s2 =	sor.u32 s4, s2  }
0x6: {  	s31 =	sshrl.u32 s1, $0x1;
	s4 =	sshrl.u32 s2, $0x3;
	s2 =	sshll.u32 s2, $0x4  }
0x7: {  	s1 =	ssub.s32 s1, s31;
	s23 =	sadd.s32 s4, s0;
	s0 =	sadd.s32 s2, s0  }
0x8: {  	s25 =	smax.u32 s1, $0x1;
	s1 =	simm.s32 $0x280;
	s2 =	simm.s32 $0x1  }
0x9: {  	s4 =	sadd.s32 $0xC00, s23;
	s5 =	sadd.s32 $0xC80, s23;
	s6 =	sadd.s32 $0xD00, s23  }
0xa: {  	s7 =	sadd.s32 $0xD80, s23;
	s8 =	sadd.s32 $0xE00, s23;
	s9 =	sadd.s32 $0xE80, s23  }
0xb: {  	s10 =	sadd.s32 $0xF00, s23;
	s11 =	sadd.s32 $0xF80, s23;
	s12 =	sadd.s32 $0x1000, s23  }
0xc: {  	s13 =	sadd.s32 $0x1080, s23;
	s14 =	sadd.s32 $0x1100, s23;
	s15 =	sadd.s32 $0x1180, s23  }
0xd: {  	s16 =	sadd.s32 $0x1200, s23;
	s17 =	sadd.s32 $0x1280, s23;
	s18 =	sadd.s32 $0x1300, s23  }
0xe: {  	s19 =	sadd.s32 $0x1380, s23;
	s20 =	sadd.s32 $0x1400, s23;
	s21 =	sadd.s32 $0x1480, s23  }
0xf: {  	s22 =	sadd.s32 $0x1500, s23;
	s23 =	sadd.s32 $0x1580, s23;
	s24 =	sadd.s32 $0x1600, s0  }
.LBB2_1:
0x10: {  	[tilespmem:s3], [sflag:$0x2] =	stream.linear.gather [hbm4b:s4+s3], $0x20, $0x38;
	[tilespmem:$0x15280] =	vst v63  }
0x11: {  	_ =	swait.ge [sflag:s26], $0x20  }
0x12: {  	[sflag:s26] =	ssyncset.done $0x0  }
0x13: {  	s0 =	simm.s32 $0x20;
	[sflag:s26] =	ssyncadd.s32 $0xFFFFFFE0  }
0x14: {  	[tilespmem:s0], [sflag:$0x2] =	stream.linear.gather [hbm4b:s5+s3], $0x20, $0x38;
	[tilespmem:$0x15280] =	vst v63  }
0x15: {  	_ =	swait.ge [sflag:s26], $0x20  }
0x16: {  	[sflag:s26] =	ssyncset.done $0x0  }
0x17: {  	s0 =	simm.s32 $0x40;
	[sflag:s26] =	ssyncadd.s32 $0xFFFFFFE0  }
0x18: {  	[tilespmem:s0], [sflag:$0x2] =	stream.linear.gather [hbm4b:s6+s3], $0x20, $0x38;
	[tilespmem:$0x15280] =	vst v63  }
0x19: {  	_ =	swait.ge [sflag:s26], $0x20  }
0x1a: {  	[sflag:s26] =	ssyncset.done $0x0  }
0x1b: {  	s0 =	simm.s32 $0x60;
	[sflag:s26] =	ssyncadd.s32 $0xFFFFFFE0  }
0x1c: {  	[tilespmem:s0], [sflag:$0x2] =	stream.linear.gather [hbm4b:s7+s3], $0x20, $0x38;
	[tilespmem:$0x15280] =	vst v63  }
0x1d: {  	_ =	swait.ge [sflag:s26], $0x20  }
0x1e: {  	[sflag:s26] =	ssyncset.done $0x0  }
0x1f: {  	s0 =	simm.s32 $0x80;
	[sflag:s26] =	ssyncadd.s32 $0xFFFFFFE0  }
0x20: {  	[tilespmem:s0], [sflag:$0x2] =	stream.linear.gather [hbm4b:s8+s3], $0x20, $0x38;
	[tilespmem:$0x15280] =	vst v63  }
0x21: {  	_ =	swait.ge [sflag:s26], $0x20  }
0x22: {  	[sflag:s26] =	ssyncset.done $0x0  }
0x23: {  	s0 =	simm.s32 $0xA0;
	[sflag:s26] =	ssyncadd.s32 $0xFFFFFFE0  }
0x24: {  	[tilespmem:s0], [sflag:$0x2] =	stream.linear.gather [hbm4b:s9+s3], $0x20, $0x38;
	[tilespmem:$0x15280] =	vst v63  }
0x25: {  	_ =	swait.ge [sflag:s26], $0x20  }
0x26: {  	[sflag:s26] =	ssyncset.done $0x0  }
0x27: {  	s0 =	simm.s32 $0xC0;
	[sflag:s26] =	ssyncadd.s32 $0xFFFFFFE0  }
0x28: {  	[tilespmem:s0], [sflag:$0x2] =	stream.linear.gather [hbm4b:s10+s3], $0x20, $0x38;
	[tilespmem:$0x15280] =	vst v63  }
0x29: {  	_ =	swait.ge [sflag:s26], $0x20  }
0x2a: {  	[sflag:s26] =	ssyncset.done $0x0  }
0x2b: {  	s0 =	simm.s32 $0xE0;
	[sflag:s26] =	ssyncadd.s32 $0xFFFFFFE0  }
0x2c: {  	[tilespmem:s0], [sflag:$0x2] =	stream.linear.gather [hbm4b:s11+s3], $0x20, $0x38;
	[tilespmem:$0x15280] =	vst v63  }
0x2d: {  	_ =	swait.ge [sflag:s26], $0x20  }
0x2e: {  	[sflag:s26] =	ssyncset.done $0x0  }
0x2f: {  	s0 =	simm.s32 $0x100;
	[sflag:s26] =	ssyncadd.s32 $0xFFFFFFE0  }
0x30: {  	[tilespmem:s0], [sflag:$0x2] =	stream.linear.gather [hbm4b:s12+s3], $0x20, $0x38;
	[tilespmem:$0x15280] =	vst v63  }
0x31: {  	_ =	swait.ge [sflag:s26], $0x20  }
0x32: {  	[sflag:s26] =	ssyncset.done $0x0  }
0x33: {  	s0 =	simm.s32 $0x120;
	[sflag:s26] =	ssyncadd.s32 $0xFFFFFFE0  }
0x34: {  	[tilespmem:s0], [sflag:$0x2] =	stream.linear.gather [hbm4b:s13+s3], $0x20, $0x38;
	[tilespmem:$0x15280] =	vst v63  }
0x35: {  	_ =	swait.ge [sflag:s26], $0x20  }
0x36: {  	[sflag:s26] =	ssyncset.done $0x0  }
0x37: {  	s0 =	simm.s32 $0x140;
	[sflag:s26] =	ssyncadd.s32 $0xFFFFFFE0  }
0x38: {  	[tilespmem:s0], [sflag:$0x2] =	stream.linear.gather [hbm4b:s14+s3], $0x20, $0x38;
	[tilespmem:$0x15280] =	vst v63  }
0x39: {  	_ =	swait.ge [sflag:s26], $0x20  }
0x3a: {  	[sflag:s26] =	ssyncset.done $0x0  }
0x3b: {  	s0 =	simm.s32 $0x160;
	[sflag:s26] =	ssyncadd.s32 $0xFFFFFFE0  }
0x3c: {  	[tilespmem:s0], [sflag:$0x2] =	stream.linear.gather [hbm4b:s15+s3], $0x20, $0x38;
	[tilespmem:$0x15280] =	vst v63  }
0x3d: {  	_ =	swait.ge [sflag:s26], $0x20  }
0x3e: {  	[sflag:s26] =	ssyncset.done $0x0  }
0x3f: {  	s0 =	simm.s32 $0x180;
	[sflag:s26] =	ssyncadd.s32 $0xFFFFFFE0  }
0x40: {  	[tilespmem:s0], [sflag:$0x2] =	stream.linear.gather [hbm4b:s16+s3], $0x20, $0x38;
	[tilespmem:$0x15280] =	vst v63  }
0x41: {  	_ =	swait.ge [sflag:s26], $0x20  }
0x42: {  	[sflag:s26] =	ssyncset.done $0x0  }
0x43: {  	s0 =	simm.s32 $0x1A0;
	[sflag:s26] =	ssyncadd.s32 $0xFFFFFFE0  }
0x44: {  	[tilespmem:s0], [sflag:$0x2] =	stream.linear.gather [hbm4b:s17+s3], $0x20, $0x38;
	[tilespmem:$0x15280] =	vst v63  }
0x45: {  	_ =	swait.ge [sflag:s26], $0x20  }
0x46: {  	[sflag:s26] =	ssyncset.done $0x0  }
0x47: {  	s0 =	simm.s32 $0x1C0;
	[sflag:s26] =	ssyncadd.s32 $0xFFFFFFE0  }
0x48: {  	[tilespmem:s0], [sflag:$0x2] =	stream.linear.gather [hbm4b:s18+s3], $0x20, $0x38;
	[tilespmem:$0x15280] =	vst v63  }
0x49: {  	_ =	swait.ge [sflag:s26], $0x20  }
0x4a: {  	[sflag:s26] =	ssyncset.done $0x0  }
0x4b: {  	s0 =	simm.s32 $0x1E0;
	[sflag:s26] =	ssyncadd.s32 $0xFFFFFFE0  }
0x4c: {  	[tilespmem:s0], [sflag:$0x2] =	stream.linear.gather [hbm4b:s19+s3], $0x20, $0x38;
	[tilespmem:$0x15280] =	vst v63  }
0x4d: {  	_ =	swait.ge [sflag:s26], $0x20  }
0x4e: {  	[sflag:s26] =	ssyncset.done $0x0  }
0x4f: {  	s0 =	simm.s32 $0x200;
	[sflag:s26] =	ssyncadd.s32 $0xFFFFFFE0  }
0x50: {  	[tilespmem:s0], [sflag:$0x2] =	stream.linear.gather [hbm4b:s20+s3], $0x20, $0x38;
	[tilespmem:$0x15280] =	vst v63  }
0x51: {  	_ =	swait.ge [sflag:s26], $0x20  }
0x52: {  	[sflag:s26] =	ssyncset.done $0x0  }
0x53: {  	s0 =	simm.s32 $0x220;
	[sflag:s26] =	ssyncadd.s32 $0xFFFFFFE0  }
0x54: {  	[tilespmem:s0], [sflag:$0x2] =	stream.linear.gather [hbm4b:s21+s3], $0x20, $0x38;
	[tilespmem:$0x15280] =	vst v63  }
0x55: {  	_ =	swait.ge [sflag:s26], $0x20  }
0x56: {  	[sflag:s26] =	ssyncset.done $0x0  }
0x57: {  	s0 =	simm.s32 $0x240;
	[sflag:s26] =	ssyncadd.s32 $0xFFFFFFE0  }
0x58: {  	[tilespmem:s0], [sflag:$0x2] =	stream.linear.gather [hbm4b:s22+s3], $0x20, $0x38;
	[tilespmem:$0x15280] =	vst v63  }
0x59: {  	_ =	swait.ge [sflag:s26], $0x20  }
0x5a: {  	[sflag:s26] =	ssyncset.done $0x0  }
0x5b: {  	s0 =	simm.s32 $0x260;
	[sflag:s26] =	ssyncadd.s32 $0xFFFFFFE0  }
0x5c: {  	[tilespmem:s0], [sflag:$0x2] =	stream.linear.gather [hbm4b:s23+s3], $0x20, $0x38;
	[tilespmem:$0x15280] =	vst v63  }
0x5d: {  	_ =	swait.ge [sflag:s26], $0x20  }
0x5e: {  	[sflag:s26] =	ssyncset.done $0x0  }
0x5f: {  	[sflag:s26] =	ssyncadd.s32 $0xFFFFFFE0  }
0x60: {  	s0 =	rddreg [dreg:$0x0]  }
0x61: {  	[tilespmem:s1], [sflag:$0x1] =	stream.indirect.gather [hbm4b:s0+s1], $0x80, s3, s1, $0xb8;
	[tilespmem:$0x15280] =	vst v63  }
0x62: {  	_ =	swait.ge [sflag:s2], $0x14000  }
0x63: {  	[sflag:s2] =	ssyncset.done $0x0  }
0x64: {  	s30 =	simm.s32 $0x0;
	[sflag:s2] =	ssyncadd.s32 $0xFFFEC000  }
0x65: {  	v0 =	vld [tilespmem:s30+$0x2B0]  }
0x66: {  	v1 =	vld [tilespmem:s30+$0x12B0]  }
0x67: {  	v2 =	vld [tilespmem:s30+$0x280]  }
0x68: {  	v3 =	vld [tilespmem:s30+$0x22B0]  }
0x69: {  	v4 =	vld [tilespmem:s30+$0x1280]  }
0x6a: {  	v5 =	vld [tilespmem:s30+$0x32B0]  }
0x6b: {  	v6 =	vld [tilespmem:s30+$0x290]  }
0x6c: {  	v7 =	vld [tilespmem:s30+$0x1290]  }
0x6d: {  	v8 =	vld [tilespmem:s30+$0x2A0]  }
0x6e: {  	v9 =	vld [tilespmem:s30+$0x12A0]  }
0x6f: {  	v10 =	vld [tilespmem:s30+$0x2280]  }
0x70: {  	v11 =	vld [tilespmem:s30+$0x2290]  }
0x71: {  	v12 =	vld [tilespmem:s30+$0x22A0]  }
0x72: {  	v13 =	vld [tilespmem:s30+$0x3280]  }
0x73: {  	v14 =	vld [tilespmem:s30+$0x3290]  }
0x74: {  	v15 =	vld [tilespmem:s30+$0x32A0]  }
0x75: {  	v16 =	vld [tilespmem:s30+$0x4280]  }
0x76: {  	v17 =	vld [tilespmem:s30+$0x4290];
	v0 =	vadd.f32 v1, v0  }
0x77: {  	v1 =	vld [tilespmem:s30+$0x42B0]  }
0x78: {  	v18 =	vld [tilespmem:s30+$0x42A0];
	v0 =	vadd.f32 v3, v0  }
0x79: {  	v3 =	vld [tilespmem:s30+$0x52B0]  }
0x7a: {  	v19 =	vld [tilespmem:s30+$0x5280];
	v0 =	vadd.f32 v5, v0  }
0x7b: {  	v5 =	vld [tilespmem:s30+$0x62B0]  }
0x7c: {  	v20 =	vld [tilespmem:s30+$0x5290];
	v0 =	vadd.f32 v1, v0  }
0x7d: {  	v1 =	vld [tilespmem:s30+$0x72B0]  }
0x7e: {  	v21 =	vld [tilespmem:s30+$0x52A0];
	v0 =	vadd.f32 v3, v0  }
0x7f: {  	v3 =	vld [tilespmem:s30+$0x82B0]  }
0x80: {  	v22 =	vld [tilespmem:s30+$0x6280];
	v0 =	vadd.f32 v5, v0  }
0x81: {  	v5 =	vld [tilespmem:s30+$0x92B0]  }
0x82: {  	v23 =	vld [tilespmem:s30+$0x62A0];
	v0 =	vadd.f32 v1, v0  }
0x83: {  	v1 =	vld [tilespmem:s30+$0xA2B0]  }
0x84: {  	v24 =	vld [tilespmem:s30+$0x7290];
	v0 =	vadd.f32 v3, v0  }
0x85: {  	v3 =	vld [tilespmem:s30+$0xB2B0]  }
0x86: {  	v25 =	vld [tilespmem:s30+$0x8280];
	v0 =	vadd.f32 v5, v0  }
0x87: {  	v5 =	vld [tilespmem:s30+$0xC2B0]  }
0x88: {  	v48 =	vld [tilespmem:s30+$0x9290];
	v0 =	vadd.f32 v1, v0  }
0x89: {  	v1 =	vld [tilespmem:s30+$0xD2B0]  }
0x8a: {  	v49 =	vld [tilespmem:s30+$0x92A0];
	v0 =	vadd.f32 v3, v0  }
0x8b: {  	v3 =	vld [tilespmem:s30+$0xE2B0]  }
0x8c: {  	v50 =	vld [tilespmem:s30+$0xA280];
	v0 =	vadd.f32 v5, v0  }
0x8d: {  	v5 =	vld [tilespmem:s30+$0xF2B0]  }
0x8e: {  	v51 =	vld [tilespmem:s30+$0xA290];
	v0 =	vadd.f32 v1, v0  }
0x8f: {  	v1 =	vld [tilespmem:s30+$0x102B0]  }
0x90: {  	v52 =	vld [tilespmem:s30+$0xA2A0];
	v0 =	vadd.f32 v3, v0  }
0x91: {  	v3 =	vld [tilespmem:s30+$0x112B0]  }
0x92: {  	v53 =	vld [tilespmem:s30+$0xB280];
	v0 =	vadd.f32 v5, v0  }
0x93: {  	v2 =	vadd.f32 v4, v2;
	v4 =	vadd.f32 v7, v6;
	v5 =	vld [tilespmem:s30+$0x122B0]  }
0x94: {  	v54 =	vld [tilespmem:s30+$0xB290];
	v7 =	vadd.f32 v9, v8;
	v0 =	vadd.f32 v1, v0  }
0x95: {  	v2 =	vadd.f32 v10, v2;
	v4 =	vadd.f32 v11, v4;
	v1 =	vld [tilespmem:s30+$0x132B0]  }
0x96: {  	v55 =	vld [tilespmem:s30+$0xB2A0];
	v7 =	vadd.f32 v12, v7;
	v0 =	vadd.f32 v3, v0  }
0x97: {  	v56 =	vld [tilespmem:s30+$0xC290];
	v2 =	vadd.f32 v13, v2;
	v4 =	vadd.f32 v14, v4  }
0x98: {  	v7 =	vadd.f32 v15, v7;
	v3 =	vld [tilespmem:s30+$0x6290];
	v0 =	vadd.f32 v5, v0  }
0x99: {  	v57 =	vld [tilespmem:s30+$0xE290];
	v2 =	vadd.f32 v16, v2;
	v4 =	vadd.f32 v17, v4  }
0x9a: {  	v7 =	vadd.f32 v18, v7;
	v5 =	vld [tilespmem:s30+$0x7280];
	v0 =	vadd.f32 v1, v0  }
0x9b: {  	v2 =	vadd.f32 v19, v2;
	v4 =	vadd.f32 v20, v4;
	v1 =	vld [tilespmem:s30+$0x72A0]  }
0x9c: {  	v7 =	vadd.f32 v21, v7;
	[tilespmem:s30+$0x142B0] =	vst v0;
	v0 =	vld [tilespmem:s30+$0x8290]  }
0x9d: {  	v6 =	vld [tilespmem:s30+$0x82A0];
	v2 =	vadd.f32 v22, v2;
	v3 =	vadd.f32 v3, v4  }
0x9e: {  	v8 =	vld [tilespmem:s30+$0x9280];
	v7 =	vadd.f32 v23, v7  }
0x9f: {  	v58 =	vld [tilespmem:s30+$0xE2A0];
	v2 =	vadd.f32 v5, v2;
	v3 =	vadd.f32 v24, v3  }
0xa0: {  	v59 =	vld [tilespmem:s30+$0xF280];
	v1 =	vadd.f32 v1, v7  }
0xa1: {  	v60 =	vld [tilespmem:s30+$0xF290];
	v2 =	vadd.f32 v25, v2;
	v0 =	vadd.f32 v0, v3  }
0xa2: {  	v61 =	vld [tilespmem:s30+$0xF2A0];
	v1 =	vadd.f32 v6, v1  }
0xa3: {  	v4 =	vld [tilespmem:s30+$0xC280];
	v2 =	vadd.f32 v8, v2;
	v0 =	vadd.f32 v48, v0  }
0xa4: {  	v5 =	vld [tilespmem:s30+$0xC2A0];
	v1 =	vadd.f32 v49, v1  }
0xa5: {  	v7 =	vld [tilespmem:s30+$0xD280];
	v2 =	vadd.f32 v50, v2;
	v0 =	vadd.f32 v51, v0  }
0xa6: {  	v3 =	vld [tilespmem:s30+$0xD290];
	v1 =	vadd.f32 v52, v1  }
0xa7: {  	v6 =	vld [tilespmem:s30+$0xD2A0];
	v2 =	vadd.f32 v53, v2;
	v0 =	vadd.f32 v54, v0  }
0xa8: {  	v8 =	vld [tilespmem:s30+$0xE280];
	v1 =	vadd.f32 v55, v1  }
0xa9: {  	v62 =	vld [tilespmem:s30+$0x12280];
	v2 =	vadd.f32 v4, v2;
	v0 =	vadd.f32 v56, v0  }
0xaa: {  	v4 =	vld [tilespmem:s30+$0x10280];
	v1 =	vadd.f32 v5, v1  }
0xab: {  	v5 =	vld [tilespmem:s30+$0x10290];
	v2 =	vadd.f32 v7, v2;
	v0 =	vadd.f32 v3, v0  }
0xac: {  	v7 =	vld [tilespmem:s30+$0x11290];
	v1 =	vadd.f32 v6, v1  }
0xad: {  	v3 =	vld [tilespmem:s30+$0x102A0];
	v2 =	vadd.f32 v8, v2;
	v0 =	vadd.f32 v57, v0  }
0xae: {  	v6 =	vld [tilespmem:s30+$0x11280];
	v1 =	vadd.f32 v58, v1  }
0xaf: {  	v8 =	vld [tilespmem:s30+$0x112A0];
	v2 =	vadd.f32 v59, v2;
	v0 =	vadd.f32 v60, v0  }
0xb0: {  	v63 =	vld [tilespmem:s30+$0x12290];
	v10 =	vadd.f32 v61, v1  }
0xb1: {  	v2 =	vadd.f32 v4, v2;
	v1 =	vld [tilespmem:s30+$0x122A0];
	v0 =	vadd.f32 v5, v0  }
0xb2: {  	v4 =	vadd.f32 v3, v10;
	v3 =	vld [tilespmem:s30+$0x13280]  }
0xb3: {  	v6 =	vadd.f32 v6, v2;
	v2 =	vld [tilespmem:s30+$0x13290];
	v7 =	vadd.f32 v7, v0  }
0xb4: {  	s0 =	simm.s32 $0x80;
	v5 =	vadd.f32 v8, v4;
	v4 =	vld [tilespmem:s30+$0x132A0]  }
0xb5: {  	s31 =	simm.s32 $0x400;
	v6 =	vadd.f32 v62, v6;
	v0 =	vld [tilespmem:s0+$0x2B0];
	v7 =	vadd.f32 v63, v7  }
.LBB2_2:
0xb6: {  	p0 =	sne.s32 s31, $0x3E00;
	v8 =	vld [tilespmem:s0+$0x12B0];
	v1 =	vadd.f32 v1, v5  }
0xb7: {  	v5 =	vld [tilespmem:s0+$0x280];
	v3 =	vadd.f32 v3, v6  }
0xb8: {  	v6 =	vld [tilespmem:s0+$0x22B0];
	v2 =	vadd.f32 v2, v7  }
0xb9: {  	v7 =	vld [tilespmem:s0+$0x1280];
	[tilespmem:s30+$0x14280] =	vst v3;
	v1 =	vadd.f32 v4, v1  }
0xba: {  	v3 =	vld [tilespmem:s0+$0x32B0];
	[tilespmem:s30+$0x14290] =	vst v2  }
0xbb: {  	v2 =	vld [tilespmem:s0+$0x290];
	v0 =	vadd.f32 v8, v0;
	[tilespmem:s30+$0x142A0] =	vst v1;
	s30 =	smov.u32 s0  }
0xbc: {  	v1 =	vld [tilespmem:s30+$0x42B0]  }
0xbd: {  	v4 =	vld [tilespmem:s30+$0x1290];
	v0 =	vadd.f32 v6, v0  }
0xbe: {  	v5 =	vadd.f32 v7, v5;
	v6 =	vld [tilespmem:s30+$0x52B0]  }
0xbf: {  	v7 =	vld [tilespmem:s30+$0x2A0];
	v0 =	vadd.f32 v3, v0  }
0xc0: {  	v3 =	vld [tilespmem:s30+$0x62B0]  }
0xc1: {  	v8 =	vld [tilespmem:s30+$0x12A0];
	v0 =	vadd.f32 v1, v0  }
0xc2: {  	v1 =	vadd.f32 v4, v2;
	v2 =	vld [tilespmem:s30+$0x72B0]  }
0xc3: {  	v4 =	vld [tilespmem:s30+$0x2280];
	v0 =	vadd.f32 v6, v0  }
0xc4: {  	v6 =	vld [tilespmem:s30+$0x82B0]  }
0xc5: {  	v9 =	vld [tilespmem:s30+$0x2290];
	v0 =	vadd.f32 v3, v0  }
0xc6: {  	v3 =	vadd.f32 v8, v7;
	v7 =	vld [tilespmem:s30+$0x92B0]  }
0xc7: {  	v8 =	vld [tilespmem:s30+$0x22A0];
	v0 =	vadd.f32 v2, v0  }
0xc8: {  	v2 =	vadd.f32 v4, v5;
	v4 =	vld [tilespmem:s30+$0xA2B0]  }
0xc9: {  	v5 =	vld [tilespmem:s30+$0x3280];
	v0 =	vadd.f32 v6, v0  }
0xca: {  	v1 =	vadd.f32 v9, v1;
	v6 =	vld [tilespmem:s30+$0xB2B0]  }
0xcb: {  	v9 =	vld [tilespmem:s30+$0x3290];
	v0 =	vadd.f32 v7, v0  }
0xcc: {  	v3 =	vadd.f32 v8, v3;
	v7 =	vld [tilespmem:s30+$0xC2B0]  }
0xcd: {  	v8 =	vld [tilespmem:s30+$0x32A0];
	v0 =	vadd.f32 v4, v0  }
0xce: {  	v2 =	vadd.f32 v5, v2;
	v4 =	vld [tilespmem:s30+$0xD2B0]  }
0xcf: {  	v5 =	vld [tilespmem:s30+$0x4280];
	v0 =	vadd.f32 v6, v0  }
0xd0: {  	v1 =	vadd.f32 v9, v1;
	v6 =	vld [tilespmem:s30+$0xE2B0]  }
0xd1: {  	v9 =	vld [tilespmem:s30+$0x4290];
	v0 =	vadd.f32 v7, v0  }
0xd2: {  	v3 =	vadd.f32 v8, v3;
	v7 =	vld [tilespmem:s30+$0xF2B0]  }
0xd3: {  	v8 =	vld [tilespmem:s30+$0x42A0];
	v0 =	vadd.f32 v4, v0  }
0xd4: {  	v2 =	vadd.f32 v5, v2;
	v4 =	vld [tilespmem:s30+$0x102B0]  }
0xd5: {  	v5 =	vld [tilespmem:s30+$0x5280];
	v0 =	vadd.f32 v6, v0  }
0xd6: {  	v1 =	vadd.f32 v9, v1;
	v6 =	vld [tilespmem:s30+$0x112B0]  }
0xd7: {  	v9 =	vld [tilespmem:s30+$0x5290];
	v0 =	vadd.f32 v7, v0  }
0xd8: {  	v3 =	vadd.f32 v8, v3;
	v7 =	vld [tilespmem:s30+$0x122B0]  }
0xd9: {  	v8 =	vld [tilespmem:s30+$0x52A0];
	v0 =	vadd.f32 v4, v0  }
0xda: {  	v2 =	vadd.f32 v5, v2;
	v4 =	vld [tilespmem:s30+$0x132B0]  }
0xdb: {  	v5 =	vld [tilespmem:s30+$0x6280];
	v0 =	vadd.f32 v6, v0  }
0xdc: {  	v1 =	vadd.f32 v9, v1;
	v6 =	vld [tilespmem:s30+$0x6290]  }
0xdd: {  	v9 =	vld [tilespmem:s30+$0x62A0];
	v0 =	vadd.f32 v7, v0  }
0xde: {  	v7 =	vld [tilespmem:s30+$0x7280];
	v3 =	vadd.f32 v8, v3  }
0xdf: {  	v8 =	vld [tilespmem:s30+$0x7290];
	v0 =	vadd.f32 v4, v0  }
0xe0: {  	v2 =	vadd.f32 v5, v2;
	v4 =	vld [tilespmem:s30+$0x72A0]  }
0xe1: {  	v5 =	vld [tilespmem:s30+$0x8280];
	v1 =	vadd.f32 v6, v1;
	[tilespmem:s30+$0x142B0] =	vst v0  }
0xe2: {  	v0 =	vld [tilespmem:s30+$0x8290];
	v3 =	vadd.f32 v9, v3  }
0xe3: {  	v2 =	vadd.f32 v7, v2;
	v6 =	vld [tilespmem:s30+$0x82A0]  }
0xe4: {  	v7 =	vld [tilespmem:s30+$0x9280];
	v1 =	vadd.f32 v8, v1  }
0xe5: {  	v8 =	vld [tilespmem:s30+$0x9290];
	v3 =	vadd.f32 v4, v3  }
0xe6: {  	v2 =	vadd.f32 v5, v2;
	v4 =	vld [tilespmem:s30+$0x92A0]  }
0xe7: {  	v5 =	vld [tilespmem:s30+$0xA280];
	v0 =	vadd.f32 v0, v1  }
0xe8: {  	v1 =	vld [tilespmem:s30+$0xA290];
	v3 =	vadd.f32 v6, v3  }
0xe9: {  	v2 =	vadd.f32 v7, v2;
	v6 =	vld [tilespmem:s30+$0xA2A0]  }
0xea: {  	v7 =	vld [tilespmem:s30+$0xB280];
	v0 =	vadd.f32 v8, v0  }
0xeb: {  	v8 =	vld [tilespmem:s30+$0xB290];
	v3 =	vadd.f32 v4, v3  }
0xec: {  	v2 =	vadd.f32 v5, v2;
	v4 =	vld [tilespmem:s30+$0xB2A0]  }
0xed: {  	v5 =	vld [tilespmem:s30+$0xC280];
	v0 =	vadd.f32 v1, v0  }
0xee: {  	v1 =	vld [tilespmem:s30+$0xC290];
	v3 =	vadd.f32 v6, v3  }
0xef: {  	v2 =	vadd.f32 v7, v2;
	v6 =	vld [tilespmem:s30+$0xC2A0]  }
0xf0: {  	v7 =	vld [tilespmem:s30+$0xD280];
	v0 =	vadd.f32 v8, v0  }
0xf1: {  	v8 =	vld [tilespmem:s30+$0xD290];
	v3 =	vadd.f32 v4, v3  }
0xf2: {  	v2 =	vadd.f32 v5, v2;
	v4 =	vld [tilespmem:s30+$0xD2A0]  }
0xf3: {  	v5 =	vld [tilespmem:s30+$0xE280];
	v0 =	vadd.f32 v1, v0  }
0xf4: {  	v1 =	vld [tilespmem:s30+$0xE290];
	v3 =	vadd.f32 v6, v3  }
0xf5: {  	v2 =	vadd.f32 v7, v2;
	v6 =	vld [tilespmem:s30+$0xE2A0]  }
0xf6: {  	v7 =	vld [tilespmem:s30+$0xF280];
	v0 =	vadd.f32 v8, v0  }
0xf7: {  	v8 =	vld [tilespmem:s30+$0xF290];
	v3 =	vadd.f32 v4, v3  }
0xf8: {  	v2 =	vadd.f32 v5, v2;
	v4 =	vld [tilespmem:s30+$0xF2A0]  }
0xf9: {  	v5 =	vld [tilespmem:s30+$0x10280];
	v0 =	vadd.f32 v1, v0  }
0xfa: {  	v1 =	vld [tilespmem:s30+$0x10290];
	v3 =	vadd.f32 v6, v3  }
0xfb: {  	v2 =	vadd.f32 v7, v2;
	v6 =	vld [tilespmem:s30+$0x102A0]  }
0xfc: {  	v7 =	vld [tilespmem:s30+$0x11280];
	v0 =	vadd.f32 v8, v0  }
0xfd: {  	v8 =	vld [tilespmem:s30+$0x11290];
	v3 =	vadd.f32 v4, v3  }
0xfe: {  	v2 =	vadd.f32 v5, v2;
	v4 =	vld [tilespmem:s30+$0x112A0]  }
0xff: {  	v9 =	vld [tilespmem:s30+$0x12280];
	v0 =	vadd.f32 v1, v0  }
0x100: {  	v10 =	vld [tilespmem:s30+$0x12290];
	v5 =	vadd.f32 v6, v3  }
.Ltmp0:
0x101: {  	v6 =	vadd.f32 v7, v2;
	v1 =	vld [tilespmem:s30+$0x122A0];
	(pc) =	sbr.rel @p0 .LBB2_2-.Ltmp0, $4  }
0x102: {  	v3 =	vld [tilespmem:s30+$0x13280];
	v7 =	vadd.f32 v8, v0  }
0x103: {  	v2 =	vld [tilespmem:s30+$0x13290];
	v5 =	vadd.f32 v4, v5  }
0x104: {  	s0 =	sshra.s32 s31, $0x2;
	v6 =	vadd.f32 v9, v6;
	v4 =	vld [tilespmem:s30+$0x132A0]  }
0x105: {  	s31 =	sadd.s32 $0x200, s31;
	v0 =	vld [tilespmem:s0+$0x2B0];
	v7 =	vadd.f32 v10, v7  }
0x106: {  	v8 =	vld [tilespmem:s0+$0x12B0]  }
0x107: {  	v9 =	vld [tilespmem:s0+$0x280];
	v1 =	vadd.f32 v1, v5;
	v3 =	vadd.f32 v3, v6  }
0x108: {  	v41 =	vld [tilespmem:s0+$0x22B0];
	v2 =	vadd.f32 v2, v7  }
0x109: {  	v10 =	vld [tilespmem:s0+$0x1280];
	[tilespmem:s30+$0x14280] =	vst v3;
	v1 =	vadd.f32 v4, v1  }
0x10a: {  	v3 =	vld [tilespmem:s0+$0x32B0];
	[tilespmem:s30+$0x14290] =	vst v2  }
0x10b: {  	v2 =	vld [tilespmem:s0+$0x290];
	[tilespmem:s30+$0x142A0] =	vst v1  }
0x10c: {  	v1 =	vld [tilespmem:s0+$0x42B0]  }
0x10d: {  	v42 =	vld [tilespmem:s0+$0x1290]  }
0x10e: {  	v43 =	vld [tilespmem:s0+$0x52B0]  }
0x10f: {  	v44 =	vld [tilespmem:s0+$0x2A0]  }
0x110: {  	v45 =	vld [tilespmem:s0+$0x62B0]  }
0x111: {  	v46 =	vld [tilespmem:s0+$0x12A0]  }
0x112: {  	v47 =	vld [tilespmem:s0+$0x72B0]  }
0x113: {  	v48 =	vld [tilespmem:s0+$0x2280]  }
0x114: {  	v49 =	vld [tilespmem:s0+$0x82B0]  }
0x115: {  	v11 =	vld [tilespmem:s0+$0x2290]  }
0x116: {  	v50 =	vld [tilespmem:s0+$0x92B0]  }
0x117: {  	v12 =	vld [tilespmem:s0+$0x22A0]  }
0x118: {  	v51 =	vld [tilespmem:s0+$0xA2B0]  }
0x119: {  	v13 =	vld [tilespmem:s0+$0x3280]  }
0x11a: {  	v52 =	vld [tilespmem:s0+$0xB2B0]  }
0x11b: {  	v14 =	vld [tilespmem:s0+$0x3290]  }
0x11c: {  	v53 =	vld [tilespmem:s0+$0xC2B0]  }
0x11d: {  	v0 =	vadd.f32 v8, v0;
	v15 =	vld [tilespmem:s0+$0x32A0]  }
0x11e: {  	v54 =	vld [tilespmem:s0+$0xD2B0]  }
0x11f: {  	v16 =	vld [tilespmem:s0+$0x4280];
	v0 =	vadd.f32 v41, v0  }
0x120: {  	v55 =	vld [tilespmem:s0+$0xE2B0]  }
0x121: {  	v17 =	vld [tilespmem:s0+$0x4290];
	v0 =	vadd.f32 v3, v0  }
0x122: {  	v56 =	vld [tilespmem:s0+$0xF2B0]  }
0x123: {  	v18 =	vld [tilespmem:s0+$0x42A0];
	v0 =	vadd.f32 v1, v0  }
0x124: {  	v57 =	vld [tilespmem:s0+$0x102B0]  }
0x125: {  	v19 =	vld [tilespmem:s0+$0x5280];
	v0 =	vadd.f32 v43, v0  }
0x126: {  	v58 =	vld [tilespmem:s0+$0x112B0]  }
0x127: {  	v20 =	vld [tilespmem:s0+$0x5290];
	v0 =	vadd.f32 v45, v0  }
0x128: {  	v59 =	vld [tilespmem:s0+$0x122B0]  }
0x129: {  	v21 =	vld [tilespmem:s0+$0x52A0];
	v0 =	vadd.f32 v47, v0  }
0x12a: {  	v60 =	vld [tilespmem:s0+$0x132B0]  }
0x12b: {  	v22 =	vld [tilespmem:s0+$0x6280];
	v0 =	vadd.f32 v49, v0  }
0x12c: {  	v61 =	vld [tilespmem:s0+$0x6290]  }
0x12d: {  	v23 =	vld [tilespmem:s0+$0x62A0];
	v0 =	vadd.f32 v50, v0  }
0x12e: {  	v62 =	vld [tilespmem:s0+$0x7280]  }
0x12f: {  	v24 =	vld [tilespmem:s0+$0x7290];
	v0 =	vadd.f32 v51, v0  }
0x130: {  	v63 =	vld [tilespmem:s0+$0x72A0]  }
0x131: {  	v25 =	vld [tilespmem:s0+$0x8280];
	v0 =	vadd.f32 v52, v0  }
0x132: {  	v27 =	vld [tilespmem:s0+$0x8290]  }
0x133: {  	v28 =	vld [tilespmem:s0+$0x82A0];
	v6 =	vadd.f32 v46, v44;
	v0 =	vadd.f32 v53, v0  }
0x134: {  	v9 =	vadd.f32 v10, v9;
	v29 =	vld [tilespmem:s0+$0x9280];
	v2 =	vadd.f32 v42, v2  }
0x135: {  	v31 =	vld [tilespmem:s0+$0x9290];
	v6 =	vadd.f32 v12, v6;
	v0 =	vadd.f32 v54, v0  }
0x136: {  	v32 =	vld [tilespmem:s0+$0x92A0];
	v30 =	vadd.f32 v48, v9;
	v2 =	vadd.f32 v11, v2  }
0x137: {  	v33 =	vld [tilespmem:s0+$0xA280];
	v6 =	vadd.f32 v15, v6;
	v0 =	vadd.f32 v55, v0  }
0x138: {  	v34 =	vld [tilespmem:s0+$0xA290];
	v7 =	vadd.f32 v13, v30;
	v2 =	vadd.f32 v14, v2  }
0x139: {  	v35 =	vld [tilespmem:s0+$0xA2A0];
	v6 =	vadd.f32 v18, v6;
	v0 =	vadd.f32 v56, v0  }
0x13a: {  	v36 =	vld [tilespmem:s0+$0xB280];
	v7 =	vadd.f32 v16, v7;
	v2 =	vadd.f32 v17, v2  }
0x13b: {  	v37 =	vld [tilespmem:s0+$0xB290];
	v6 =	vadd.f32 v21, v6;
	v0 =	vadd.f32 v57, v0  }
0x13c: {  	v38 =	vld [tilespmem:s0+$0xB2A0];
	v7 =	vadd.f32 v19, v7;
	v2 =	vadd.f32 v20, v2  }
0x13d: {  	v39 =	vld [tilespmem:s0+$0xC280];
	v6 =	vadd.f32 v23, v6;
	v0 =	vadd.f32 v58, v0  }
0x13e: {  	v40 =	vld [tilespmem:s0+$0xC290];
	v7 =	vadd.f32 v22, v7;
	v2 =	vadd.f32 v61, v2  }
0x13f: {  	v41 =	vld [tilespmem:s0+$0xC2A0];
	v1 =	vadd.f32 v63, v6;
	v0 =	vadd.f32 v59, v0  }
0x140: {  	v42 =	vld [tilespmem:s0+$0xD280];
	v3 =	vadd.f32 v62, v7;
	v2 =	vadd.f32 v24, v2  }
0x141: {  	v44 =	vld [tilespmem:s0+$0xD2A0];
	v1 =	vadd.f32 v28, v1;
	v0 =	vadd.f32 v60, v0  }
0x142: {  	v46 =	vld [tilespmem:s0+$0xE290];
	v3 =	vadd.f32 v25, v3  }
0x143: {  	v48 =	vld [tilespmem:s0+$0xF280];
	v1 =	vadd.f32 v32, v1;
	[tilespmem:s0+$0x142B0] =	vst v0;
	v0 =	vadd.f32 v27, v2  }
0x144: {  	v43 =	vld [tilespmem:s0+$0xD290];
	v3 =	vadd.f32 v29, v3  }
0x145: {  	v45 =	vld [tilespmem:s0+$0xE280];
	v1 =	vadd.f32 v35, v1;
	v0 =	vadd.f32 v31, v0  }
0x146: {  	v47 =	vld [tilespmem:s0+$0xE2A0];
	v3 =	vadd.f32 v33, v3  }
0x147: {  	v49 =	vld [tilespmem:s0+$0xF290];
	v1 =	vadd.f32 v38, v1;
	v0 =	vadd.f32 v34, v0  }
0x148: {  	v50 =	vld [tilespmem:s0+$0xF2A0];
	v3 =	vadd.f32 v36, v3  }
0x149: {  	v51 =	vld [tilespmem:s0+$0x10280];
	v1 =	vadd.f32 v41, v1;
	v0 =	vadd.f32 v37, v0  }
0x14a: {  	v63 =	vld [tilespmem:s0+$0x132A0];
	v3 =	vadd.f32 v39, v3  }
0x14b: {  	v52 =	vld [tilespmem:s0+$0x10290];
	v1 =	vadd.f32 v44, v1;
	v0 =	vadd.f32 v40, v0  }
0x14c: {  	v53 =	vld [tilespmem:s0+$0x102A0];
	v3 =	vadd.f32 v42, v3  }
0x14d: {  	v54 =	vld [tilespmem:s0+$0x11280];
	v1 =	vadd.f32 v47, v1;
	v0 =	vadd.f32 v43, v0  }
0x14e: {  	v55 =	vadd.f32 v45, v3;
	v57 =	vld [tilespmem:s0+$0x112A0]  }
0x14f: {  	v56 =	vld [tilespmem:s0+$0x11290];
	v1 =	vadd.f32 v50, v1;
	v0 =	vadd.f32 v46, v0  }
0x150: {  	v60 =	vld [tilespmem:s0+$0x122A0];
	v2 =	vadd.f32 v48, v55  }
0x151: {  	v58 =	vld [tilespmem:s0+$0x12280];
	v1 =	vadd.f32 v53, v1;
	v0 =	vadd.f32 v49, v0  }
0x152: {  	v59 =	vld [tilespmem:s0+$0x12290];
	v2 =	vadd.f32 v51, v2  }
0x153: {  	v61 =	vld [tilespmem:s0+$0x13280];
	v1 =	vadd.f32 v57, v1;
	v0 =	vadd.f32 v52, v0  }
0x154: {  	v62 =	vld [tilespmem:s0+$0x13290];
	v2 =	vadd.f32 v54, v2  }
0x155: {  	v1 =	vadd.f32 v60, v1;
	v0 =	vadd.f32 v56, v0  }
0x156: {  	v2 =	vadd.f32 v58, v2  }
0x157: {  	v1 =	vadd.f32 v63, v1;
	v0 =	vadd.f32 v59, v0  }
0x158: {  	v2 =	vadd.f32 v61, v2  }
0x159: {  	s29 =	sadd.s32 $0x1, s29;
	[tilespmem:s0+$0x142A0] =	vst v1;
	v0 =	vadd.f32 v62, v0  }
0x15a: {  	p0 =	sne.s32 s29, s25;
	[tilespmem:s0+$0x14280] =	vst v2  }
.Ltmp1:
0x15b: {  	[tilespmem:s0+$0x14290] =	vst v0;
	(pc) =	sbr.rel @p0 .LBB2_1-.Ltmp1, $4  }
0x15c: {  	[hbm4b:s24+s3] =	stream.linear.scatter [tilespmem:s28], [sflag:$0x2], $0x1000, $0x38;
	[tilespmem:$0x15280] =	vst v63  }
0x15d: {  	_ =	swait.ge [sflag:s26], $0x1000  }
0x15e: {  	[sflag:s26] =	ssyncset.done $0x0  }
0x15f: {  	[sflag:s26] =	ssyncadd.s32 $0xFFFFF000  }
0x160: {  	_ =	sfence.sel $0x180000  }
0x161: {  	[bflag:$0x0] =	sbarrier.arrive $0xFFFF  }
0x162: {  	_ =	strace $0x90000047  }
0x163: {  	s0 =	stileid.u32;
	[bflag:$0x2] =	sbarrier.arrive $0xFFFF  }
0x164: {  	p0 =	sne.s32 s0, $0x0;
	s0 =	rddreg [dreg:$0x2]  }
0x165: {  	s0 =	sadd.s32 @!p0 $0x100000, s0  }
0x166: {  	[sflag:s0] =	ssyncadd.tile.s32 @!p0 $0x1;
	_ =	shalt  }
.Lfunc_end2:
_tile_overlayer_lowered:
.L_overlay_start_2:
0x167: {  	(tag) =	ssettag $0x2  }
0x168: {  	s0 =	rddreg [dreg:$0x0];
	s2 =	stileid.u32  }
0x169: {  	s1 =	rddreg [dreg:$0x1];
	p0 =	sne.s32 s2, $0x0  }
0x16a: {  	s3 =	rddreg [dreg:$0x2];
	[bflag:$0x3] =	sbarrier.arrive $0xFFFF;
	s2 =	simm.s32 @!p0 $0x1C02  }
0x16b: {  	[timem:s3], [sflag:s2] =	dma.local @!p0 [hbm:s0], s1  }
0x16c: {  	s0 =	simm.s32 @!p0 $0x2  }
0x16d: {  	_ =	swait.ge @!p0 [sflag:s0], s1  }
0x16e: {  	s1 =	ssub.s32 @!p0 $0x0, s1;
	[sflag:s0] =	ssyncset.done @!p0 $0x0  }
0x16f: {  	[sflag:s0] =	ssyncadd.s32 @!p0 s1  }
0x170: {  	[bflag:$0x3] =	sbarrier.arrive $0xFFFF  }
0x171: {  	_ =	shalt  }

</sc_bundles>
